<compile_context>
chip_gen: v7x
topology: tpu7x:2x2x1
jax: 0.10.2.dev20260603
libtpu: 0.0.44.dev20260713+nightly
codegen_flags: <defaults>
</compile_context>

<pallas_src>
import functools

import jax
import jax.numpy as jnp
from jax import lax
from jax.experimental import pallas as pl
from jax.experimental.pallas import tpu as pltpu
from jax.experimental.pallas import tpu_sc as plsc

NUM_NODES = 10000
NPAD = 10240
FEAT = 128
BLK = 64
NUM_CORES = 2
NUM_SUBCORES = 16
NUM_TILES = NUM_CORES * NUM_SUBCORES
ROWS_PER_TILE = NPAD // NUM_SUBCORES


NBUF = 4


def _sc_partials(msg, edge_index):
    num_edges = msg.shape[0]
    assert num_edges % BLK == 0
    num_blocks = num_edges // BLK
    base_bpt = num_blocks // NUM_TILES
    rem = num_blocks % NUM_TILES

    mesh = plsc.VectorSubcoreMesh(core_axis_name="c", subcore_axis_name="s")

    @functools.partial(
        pl.kernel,
        mesh=mesh,
        out_type=jax.ShapeDtypeStruct((NUM_CORES, NPAD, FEAT), jnp.float32),
        scratch_types=[
            pltpu.VMEM_SHARED((NPAD, FEAT), jnp.float32),
            pltpu.VMEM((NBUF, BLK, FEAT), jnp.float32),
            pltpu.VMEM((NBUF, BLK), jnp.int32),
            pltpu.VMEM((BLK, FEAT), jnp.float32),
            pltpu.SemaphoreType.DMA((NBUF,)),
            pltpu.SemaphoreType.DMA((NBUF,)),
        ],
    )
    def sc_kernel(msg_hbm, dst_hbm, out_hbm, acc, msg_v, idx_v, zbuf, msg_sem, idx_sem):
        c = lax.axis_index("c")
        s = lax.axis_index("s")
        w = c * NUM_SUBCORES + s

        base = w * base_bpt + jnp.minimum(w, rem)
        nb = base_bpt + jnp.where(w < rem, 1, 0)

        def issue(i, b):
            e0 = (base + i) * BLK
            pltpu.async_copy(dst_hbm.at[1, pl.ds(e0, BLK)], idx_v.at[b], idx_sem.at[b])
            pltpu.async_copy(msg_hbm.at[pl.ds(e0, BLK)], msg_v.at[b], msg_sem.at[b])

        def wait(i, b):
            e0 = (base + i) * BLK
            pltpu.make_async_copy(dst_hbm.at[1, pl.ds(e0, BLK)], idx_v.at[b], idx_sem.at[b]).wait()
            pltpu.make_async_copy(msg_hbm.at[pl.ds(e0, BLK)], msg_v.at[b], msg_sem.at[b]).wait()

        for k in range(NBUF):

            @pl.when(k < nb)
            def _(k=k):
                issue(k, k)

        @pl.loop(0, BLK)
        def _(r):
            @pl.loop(0, FEAT, step=16)
            def _(f):
                zbuf[r, pl.ds(f, 16)] = jnp.zeros((16,), jnp.float32)

        @pl.loop(0, ROWS_PER_TILE // BLK)
        def _(j):
            pltpu.sync_copy(
                zbuf,
                acc.at[pl.ds(s * ROWS_PER_TILE + j * BLK, BLK)],
            )

        plsc.subcore_barrier()

        def body(j, carry):
            i0 = NBUF * j
            for k in range(NBUF):
                i = i0 + k

                @pl.when(i < nb)
                def _(i=i, k=k):
                    wait(i, k)
                    pltpu.sync_copy(msg_v.at[k], acc.at[idx_v.at[k]], add=True)

                    @pl.when(i + NBUF < nb)
                    def _(i=i, k=k):
                        issue(i + NBUF, k)

            return carry

        lax.fori_loop(0, (nb + NBUF - 1) // NBUF, body, 0)

        plsc.subcore_barrier()

        pltpu.sync_copy(
            acc.at[pl.ds(s * ROWS_PER_TILE, ROWS_PER_TILE)],
            out_hbm.at[c, pl.ds(s * ROWS_PER_TILE, ROWS_PER_TILE)],
        )

    return sc_kernel(msg, edge_index)


def _tc_add(partials):
    def add_body(p_ref, o_ref):
        o_ref[...] = p_ref[0, :NUM_NODES] + p_ref[1, :NUM_NODES]

    return pl.pallas_call(
        add_body,
        out_shape=jax.ShapeDtypeStruct((NUM_NODES, FEAT), jnp.float32),
    )(partials)


def kernel(msg, edge_index):
    if edge_index.dtype != jnp.int32:
        edge_index = edge_index.astype(jnp.int32)
    partials = _sc_partials(msg, edge_index)
    return _tc_add(partials)

# --- scband reference (transcript-rebuilt; emitter-appended) ---
"""Pipeline reference for scband-gcnstage4-reduce-sum-41807211659496 (READ-ONLY COPY).

The authoritative reference and input builder live on the scoring server;
editing this copy changes nothing except your own understanding.
"""

import jax, jax.numpy as jnp
import numpy as np

NUM_NODES = 10000
NUM_EDGES = 320000
FEAT_DIM = 128

def setup_inputs(seed: int = 0) -> dict:
    key = jax.random.key(seed)
    k1, k2 = jax.random.split(key)
    msg = jax.random.normal(k1, (NUM_EDGES, FEAT_DIM), dtype=jnp.float32)
    edge_index = jax.random.randint(k2, (2, NUM_EDGES), 0, NUM_NODES, dtype=jnp.int64)
    return {"msg": msg, "edge_index": edge_index}

def reference(msg, edge_index):
    # Stage 4 REDUCE_SUM: scatter-add messages onto destination nodes.
    target_nodes = edge_index[1]
    out = jnp.zeros((NUM_NODES, msg.shape[1]), dtype=msg.dtype)
    out = out.at[target_nodes].add(msg)
    return out

if __name__ == "__main__":
    import jax
    _d = setup_inputs()
    print(jax.jit(kernel)(*tuple(_d.values())))

</pallas_src>

<mosaic_0001>
#map = affine_map<(d0, d1) -> (0, 0)>
#map1 = affine_map<(d0, d1) -> (0, 0, 0)>
module attributes {stable_mosaic.version = 14 : i64} {
  func.func @sc_kernel(%arg0: i32, %arg1: i32, %arg2: memref<320000x128xf32, #tpu.memory_space<hbm>>, %arg3: memref<2x320000xi32, #tpu.memory_space<hbm>>, %arg4: memref<2x10240x128xf32, #tpu.memory_space<hbm>>, %arg5: memref<10240x128xf32, #tpu.memory_space<vmem_shared>>, %arg6: memref<4x64x128xf32, #tpu.memory_space<vmem>>, %arg7: memref<4x64xi32, #tpu.memory_space<vmem>>, %arg8: memref<64x128xf32, #tpu.memory_space<vmem>>, %arg9: memref<4x!tpu.dma_semaphore, #tpu.memory_space<semaphore_mem>>, %arg10: memref<4x!tpu.dma_semaphore, #tpu.memory_space<semaphore_mem>>) attributes {dimension_semantics = [#tpu.dimension_semantics<core_parallel>, #tpu.dimension_semantics<subcore_parallel>], iteration_bounds = array<i64: 2, 16>, scalar_prefetch = 0 : i64, scratch_operands = 6 : i64, tpu.core_type = #tpu.core_type<sc_vector_subcore>, window_params = [{transform_indices = #map}, {transform_indices = #map}, {transform_indices = #map1}]} {
    %mul3A = arith.constant 16 : i32
    %mul3A_0 = arith.muli %arg0, %mul3A : i32
    %add3A = arith.addi %mul3A_0, %arg1 : i32
    %mul3A_1 = arith.constant 156 : i32
    %mul3A_2 = arith.muli %add3A, %mul3A_1 : i32
    %min3A = arith.constant 8 : i32
    %min3A_3 = arith.minsi %add3A, %min3A : i32
    %add3A_4 = arith.addi %mul3A_2, %min3A_3 : i32
    %lt3A = arith.constant 8 : i32
    %lt3A_5 = arith.cmpi slt, %add3A, %lt3A : i32
    %jit3A = arith.constant 1 : i32
    %jit3A_6 = arith.constant 0 : i32
    %select_n3A = arith.select %lt3A_5, %jit3A, %jit3A_6 : i32
    %add3A_7 = arith.constant 156 : i32
    %add3A_8 = arith.addi %add3A_7, %select_n3A : i32
    %gt3A = arith.constant 0 : i32
    %gt3A_9 = arith.cmpi sgt, %add3A_8, %gt3A : i32
    %convert_element_type3A = arith.extui %gt3A_9 : i1 to i32
    %cond3A = arith.constant 0 : i32
    %cond3A_10 = arith.cmpi ne, %convert_element_type3A, %cond3A : i32
    scf.if %cond3A_10 {
      %add3A_71 = arith.constant 0 : i32
      %add3A_72 = arith.addi %add3A_4, %add3A_71 : i32
      %mul3A_73 = arith.constant 64 : i32
      %mul3A_74 = arith.muli %add3A_72, %mul3A_73 : i32
      %dma_start3A = arith.constant 1 : i32
      %dma_start3A_75 = arith.constant 0 : i32
      %dma_start3A_76 = arith.constant 0 : i32
      %dma_start3A_77 = arith.constant 0 : i32
      %dma_start3A_78 = tpu.memref_slice %arg7[%dma_start3A_75, %dma_start3A_77] : memref<4x64xi32, #tpu.memory_space<vmem>> -> memref<1x64xi32, #tpu.memory_space<vmem>>
      %dma_start3A_79 = tpu.memref_squeeze %dma_start3A_78 : memref<1x64xi32, #tpu.memory_space<vmem>> -> memref<64xi32, #tpu.memory_space<vmem>>
      %dma_start3A_80 = tpu.memref_slice %arg3[%dma_start3A, %mul3A_74] : memref<2x320000xi32, #tpu.memory_space<hbm>> -> memref<1x64xi32, #tpu.memory_space<hbm>>
      %dma_start3A_81 = tpu.memref_squeeze %dma_start3A_80 : memref<1x64xi32, #tpu.memory_space<hbm>> -> memref<64xi32, #tpu.memory_space<hbm>>
      %dma_start3A_82 = tpu.memref_slice %arg10[%dma_start3A_76] : memref<4x!tpu.dma_semaphore, #tpu.memory_space<semaphore_mem>> -> memref<1x!tpu.dma_semaphore, #tpu.memory_space<semaphore_mem>>
      %dma_start3A_83 = tpu.memref_squeeze %dma_start3A_82 : memref<1x!tpu.dma_semaphore, #tpu.memory_space<semaphore_mem>> -> memref<!tpu.dma_semaphore, #tpu.memory_space<semaphore_mem>>
      %dma_start3A_84 = arith.constant 0 : i32
      %dma_start3A_85 = tpu.memref_slice %arg7[%dma_start3A_75, %dma_start3A_84] : memref<4x64xi32, #tpu.memory_space<vmem>> -> memref<1x64xi32, #tpu.memory_space<vmem>>
      %dma_start3A_86 = tpu.memref_squeeze %dma_start3A_85 : memref<1x64xi32, #tpu.memory_space<vmem>> -> memref<64xi32, #tpu.memory_space<vmem>>
      %dma_start3A_87 = tpu.memref_slice %arg3[%dma_start3A, %mul3A_74] : memref<2x320000xi32, #tpu.memory_space<hbm>> -> memref<1x64xi32, #tpu.memory_space<hbm>>
      %dma_start3A_88 = tpu.memref_squeeze %dma_start3A_87 : memref<1x64xi32, #tpu.memory_space<hbm>> -> memref<64xi32, #tpu.memory_space<hbm>>
      tpu.enqueue_dma source(%dma_start3A_88 : memref<64xi32, #tpu.memory_space<hbm>>) target(%dma_start3A_86 : memref<64xi32, #tpu.memory_space<vmem>>) target_semaphore(%dma_start3A_83 : memref<!tpu.dma_semaphore, #tpu.memory_space<semaphore_mem>>)
      %dma_start3A_89 = arith.constant 0 : i32
      %dma_start3A_90 = arith.constant 0 : i32
      %dma_start3A_91 = arith.constant 0 : i32
      %dma_start3A_92 = arith.constant 0 : i32
      %dma_start3A_93 = tpu.memref_slice %arg6[%dma_start3A_89, %dma_start3A_91, %dma_start3A_92] : memref<4x64x128xf32, #tpu.memory_space<vmem>> -> memref<1x64x128xf32, #tpu.memory_space<vmem>>
      %dma_start3A_94 = tpu.memref_squeeze %dma_start3A_93 : memref<1x64x128xf32, #tpu.memory_space<vmem>> -> memref<64x128xf32, #tpu.memory_space<vmem>>
      %dma_start3A_95 = arith.constant 0 : i32
      %dma_start3A_96 = tpu.memref_slice %arg2[%mul3A_74, %dma_start3A_95] : memref<320000x128xf32, #tpu.memory_space<hbm>> -> memref<64x128xf32, #tpu.memory_space<hbm>>
      %dma_start3A_97 = tpu.memref_slice %arg9[%dma_start3A_90] : memref<4x!tpu.dma_semaphore, #tpu.memory_space<semaphore_mem>> -> memref<1x!tpu.dma_semaphore, #tpu.memory_space<semaphore_mem>>
      %dma_start3A_98 = tpu.memref_squeeze %dma_start3A_97 : memref<1x!tpu.dma_semaphore, #tpu.memory_space<semaphore_mem>> -> memref<!tpu.dma_semaphore, #tpu.memory_space<semaphore_mem>>
      %dma_start3A_99 = arith.constant 0 : i32
      %dma_start3A_100 = arith.constant 0 : i32
      %dma_start3A_101 = tpu.memref_slice %arg6[%dma_start3A_89, %dma_start3A_99, %dma_start3A_100] : memref<4x64x128xf32, #tpu.memory_space<vmem>> -> memref<1x64x128xf32, #tpu.memory_space<vmem>>
      %dma_start3A_102 = tpu.memref_squeeze %dma_start3A_101 : memref<1x64x128xf32, #tpu.memory_space<vmem>> -> memref<64x128xf32, #tpu.memory_space<vmem>>
      %dma_start3A_103 = arith.constant 0 : i32
      %dma_start3A_104 = tpu.memref_slice %arg2[%mul3A_74, %dma_start3A_103] : memref<320000x128xf32, #tpu.memory_space<hbm>> -> memref<64x128xf32, #tpu.memory_space<hbm>>
      tpu.enqueue_dma source(%dma_start3A_104 : memref<64x128xf32, #tpu.memory_space<hbm>>) target(%dma_start3A_102 : memref<64x128xf32, #tpu.memory_space<vmem>>) target_semaphore(%dma_start3A_98 : memref<!tpu.dma_semaphore, #tpu.memory_space<semaphore_mem>>)
    } else {
    }
    %gt3A_11 = arith.constant 1 : i32
    %gt3A_12 = arith.cmpi sgt, %add3A_8, %gt3A_11 : i32
    %convert_element_type3A_13 = arith.extui %gt3A_12 : i1 to i32
    %cond3A_14 = arith.constant 0 : i32
    %cond3A_15 = arith.cmpi ne, %convert_element_type3A_13, %cond3A_14 : i32
    scf.if %cond3A_15 {
      %add3A_71 = arith.constant 1 : i32
      %add3A_72 = arith.addi %add3A_4, %add3A_71 : i32
      %mul3A_73 = arith.constant 64 : i32
      %mul3A_74 = arith.muli %add3A_72, %mul3A_73 : i32
      %dma_start3A = arith.constant 1 : i32
      %dma_start3A_75 = arith.constant 1 : i32
      %dma_start3A_76 = arith.constant 1 : i32
      %dma_start3A_77 = arith.constant 0 : i32
      %dma_start3A_78 = tpu.memref_slice %arg7[%dma_start3A_75, %dma_start3A_77] : memref<4x64xi32, #tpu.memory_space<vmem>> -> memref<1x64xi32, #tpu.memory_space<vmem>>
      %dma_start3A_79 = tpu.memref_squeeze %dma_start3A_78 : memref<1x64xi32, #tpu.memory_space<vmem>> -> memref<64xi32, #tpu.memory_space<vmem>>
      %dma_start3A_80 = tpu.memref_slice %arg3[%dma_start3A, %mul3A_74] : memref<2x320000xi32, #tpu.memory_space<hbm>> -> memref<1x64xi32, #tpu.memory_space<hbm>>
      %dma_start3A_81 = tpu.memref_squeeze %dma_start3A_80 : memref<1x64xi32, #tpu.memory_space<hbm>> -> memref<64xi32, #tpu.memory_space<hbm>>
      %dma_start3A_82 = tpu.memref_slice %arg10[%dma_start3A_76] : memref<4x!tpu.dma_semaphore, #tpu.memory_space<semaphore_mem>> -> memref<1x!tpu.dma_semaphore, #tpu.memory_space<semaphore_mem>>
      %dma_start3A_83 = tpu.memref_squeeze %dma_start3A_82 : memref<1x!tpu.dma_semaphore, #tpu.memory_space<semaphore_mem>> -> memref<!tpu.dma_semaphore, #tpu.memory_space<semaphore_mem>>
      %dma_start3A_84 = arith.constant 0 : i32
      %dma_start3A_85 = tpu.memref_slice %arg7[%dma_start3A_75, %dma_start3A_84] : memref<4x64xi32, #tpu.memory_space<vmem>> -> memref<1x64xi32, #tpu.memory_space<vmem>>
      %dma_start3A_86 = tpu.memref_squeeze %dma_start3A_85 : memref<1x64xi32, #tpu.memory_space<vmem>> -> memref<64xi32, #tpu.memory_space<vmem>>
      %dma_start3A_87 = tpu.memref_slice %arg3[%dma_start3A, %mul3A_74] : memref<2x320000xi32, #tpu.memory_space<hbm>> -> memref<1x64xi32, #tpu.memory_space<hbm>>
      %dma_start3A_88 = tpu.memref_squeeze %dma_start3A_87 : memref<1x64xi32, #tpu.memory_space<hbm>> -> memref<64xi32, #tpu.memory_space<hbm>>
      tpu.enqueue_dma source(%dma_start3A_88 : memref<64xi32, #tpu.memory_space<hbm>>) target(%dma_start3A_86 : memref<64xi32, #tpu.memory_space<vmem>>) target_semaphore(%dma_start3A_83 : memref<!tpu.dma_semaphore, #tpu.memory_space<semaphore_mem>>)
      %dma_start3A_89 = arith.constant 1 : i32
      %dma_start3A_90 = arith.constant 1 : i32
      %dma_start3A_91 = arith.constant 0 : i32
      %dma_start3A_92 = arith.constant 0 : i32
      %dma_start3A_93 = tpu.memref_slice %arg6[%dma_start3A_89, %dma_start3A_91, %dma_start3A_92] : memref<4x64x128xf32, #tpu.memory_space<vmem>> -> memref<1x64x128xf32, #tpu.memory_space<vmem>>
      %dma_start3A_94 = tpu.memref_squeeze %dma_start3A_93 : memref<1x64x128xf32, #tpu.memory_space<vmem>> -> memref<64x128xf32, #tpu.memory_space<vmem>>
      %dma_start3A_95 = arith.constant 0 : i32
      %dma_start3A_96 = tpu.memref_slice %arg2[%mul3A_74, %dma_start3A_95] : memref<320000x128xf32, #tpu.memory_space<hbm>> -> memref<64x128xf32, #tpu.memory_space<hbm>>
      %dma_start3A_97 = tpu.memref_slice %arg9[%dma_start3A_90] : memref<4x!tpu.dma_semaphore, #tpu.memory_space<semaphore_mem>> -> memref<1x!tpu.dma_semaphore, #tpu.memory_space<semaphore_mem>>
      %dma_start3A_98 = tpu.memref_squeeze %dma_start3A_97 : memref<1x!tpu.dma_semaphore, #tpu.memory_space<semaphore_mem>> -> memref<!tpu.dma_semaphore, #tpu.memory_space<semaphore_mem>>
      %dma_start3A_99 = arith.constant 0 : i32
      %dma_start3A_100 = arith.constant 0 : i32
      %dma_start3A_101 = tpu.memref_slice %arg6[%dma_start3A_89, %dma_start3A_99, %dma_start3A_100] : memref<4x64x128xf32, #tpu.memory_space<vmem>> -> memref<1x64x128xf32, #tpu.memory_space<vmem>>
      %dma_start3A_102 = tpu.memref_squeeze %dma_start3A_101 : memref<1x64x128xf32, #tpu.memory_space<vmem>> -> memref<64x128xf32, #tpu.memory_space<vmem>>
      %dma_start3A_103 = arith.constant 0 : i32
      %dma_start3A_104 = tpu.memref_slice %arg2[%mul3A_74, %dma_start3A_103] : memref<320000x128xf32, #tpu.memory_space<hbm>> -> memref<64x128xf32, #tpu.memory_space<hbm>>
      tpu.enqueue_dma source(%dma_start3A_104 : memref<64x128xf32, #tpu.memory_space<hbm>>) target(%dma_start3A_102 : memref<64x128xf32, #tpu.memory_space<vmem>>) target_semaphore(%dma_start3A_98 : memref<!tpu.dma_semaphore, #tpu.memory_space<semaphore_mem>>)
    } else {
    }
    %gt3A_16 = arith.constant 2 : i32
    %gt3A_17 = arith.cmpi sgt, %add3A_8, %gt3A_16 : i32
    %convert_element_type3A_18 = arith.extui %gt3A_17 : i1 to i32
    %cond3A_19 = arith.constant 0 : i32
    %cond3A_20 = arith.cmpi ne, %convert_element_type3A_18, %cond3A_19 : i32
    scf.if %cond3A_20 {
      %add3A_71 = arith.constant 2 : i32
      %add3A_72 = arith.addi %add3A_4, %add3A_71 : i32
      %mul3A_73 = arith.constant 64 : i32
      %mul3A_74 = arith.muli %add3A_72, %mul3A_73 : i32
      %dma_start3A = arith.constant 1 : i32
      %dma_start3A_75 = arith.constant 2 : i32
      %dma_start3A_76 = arith.constant 2 : i32
      %dma_start3A_77 = arith.constant 0 : i32
      %dma_start3A_78 = tpu.memref_slice %arg7[%dma_start3A_75, %dma_start3A_77] : memref<4x64xi32, #tpu.memory_space<vmem>> -> memref<1x64xi32, #tpu.memory_space<vmem>>
      %dma_start3A_79 = tpu.memref_squeeze %dma_start3A_78 : memref<1x64xi32, #tpu.memory_space<vmem>> -> memref<64xi32, #tpu.memory_space<vmem>>
      %dma_start3A_80 = tpu.memref_slice %arg3[%dma_start3A, %mul3A_74] : memref<2x320000xi32, #tpu.memory_space<hbm>> -> memref<1x64xi32, #tpu.memory_space<hbm>>
      %dma_start3A_81 = tpu.memref_squeeze %dma_start3A_80 : memref<1x64xi32, #tpu.memory_space<hbm>> -> memref<64xi32, #tpu.memory_space<hbm>>
      %dma_start3A_82 = tpu.memref_slice %arg10[%dma_start3A_76] : memref<4x!tpu.dma_semaphore, #tpu.memory_space<semaphore_mem>> -> memref<1x!tpu.dma_semaphore, #tpu.memory_space<semaphore_mem>>
      %dma_start3A_83 = tpu.memref_squeeze %dma_start3A_82 : memref<1x!tpu.dma_semaphore, #tpu.memory_space<semaphore_mem>> -> memref<!tpu.dma_semaphore, #tpu.memory_space<semaphore_mem>>
      %dma_start3A_84 = arith.constant 0 : i32
      %dma_start3A_85 = tpu.memref_slice %arg7[%dma_start3A_75, %dma_start3A_84] : memref<4x64xi32, #tpu.memory_space<vmem>> -> memref<1x64xi32, #tpu.memory_space<vmem>>
      %dma_start3A_86 = tpu.memref_squeeze %dma_start3A_85 : memref<1x64xi32, #tpu.memory_space<vmem>> -> memref<64xi32, #tpu.memory_space<vmem>>
      %dma_start3A_87 = tpu.memref_slice %arg3[%dma_start3A, %mul3A_74] : memref<2x320000xi32, #tpu.memory_space<hbm>> -> memref<1x64xi32, #tpu.memory_space<hbm>>
      %dma_start3A_88 = tpu.memref_squeeze %dma_start3A_87 : memref<1x64xi32, #tpu.memory_space<hbm>> -> memref<64xi32, #tpu.memory_space<hbm>>
      tpu.enqueue_dma source(%dma_start3A_88 : memref<64xi32, #tpu.memory_space<hbm>>) target(%dma_start3A_86 : memref<64xi32, #tpu.memory_space<vmem>>) target_semaphore(%dma_start3A_83 : memref<!tpu.dma_semaphore, #tpu.memory_space<semaphore_mem>>)
      %dma_start3A_89 = arith.constant 2 : i32
      %dma_start3A_90 = arith.constant 2 : i32
      %dma_start3A_91 = arith.constant 0 : i32
      %dma_start3A_92 = arith.constant 0 : i32
      %dma_start3A_93 = tpu.memref_slice %arg6[%dma_start3A_89, %dma_start3A_91, %dma_start3A_92] : memref<4x64x128xf32, #tpu.memory_space<vmem>> -> memref<1x64x128xf32, #tpu.memory_space<vmem>>
      %dma_start3A_94 = tpu.memref_squeeze %dma_start3A_93 : memref<1x64x128xf32, #tpu.memory_space<vmem>> -> memref<64x128xf32, #tpu.memory_space<vmem>>
      %dma_start3A_95 = arith.constant 0 : i32
      %dma_start3A_96 = tpu.memref_slice %arg2[%mul3A_74, %dma_start3A_95] : memref<320000x128xf32, #tpu.memory_space<hbm>> -> memref<64x128xf32, #tpu.memory_space<hbm>>
      %dma_start3A_97 = tpu.memref_slice %arg9[%dma_start3A_90] : memref<4x!tpu.dma_semaphore, #tpu.memory_space<semaphore_mem>> -> memref<1x!tpu.dma_semaphore, #tpu.memory_space<semaphore_mem>>
      %dma_start3A_98 = tpu.memref_squeeze %dma_start3A_97 : memref<1x!tpu.dma_semaphore, #tpu.memory_space<semaphore_mem>> -> memref<!tpu.dma_semaphore, #tpu.memory_space<semaphore_mem>>
      %dma_start3A_99 = arith.constant 0 : i32
      %dma_start3A_100 = arith.constant 0 : i32
      %dma_start3A_101 = tpu.memref_slice %arg6[%dma_start3A_89, %dma_start3A_99, %dma_start3A_100] : memref<4x64x128xf32, #tpu.memory_space<vmem>> -> memref<1x64x128xf32, #tpu.memory_space<vmem>>
      %dma_start3A_102 = tpu.memref_squeeze %dma_start3A_101 : memref<1x64x128xf32, #tpu.memory_space<vmem>> -> memref<64x128xf32, #tpu.memory_space<vmem>>
      %dma_start3A_103 = arith.constant 0 : i32
      %dma_start3A_104 = tpu.memref_slice %arg2[%mul3A_74, %dma_start3A_103] : memref<320000x128xf32, #tpu.memory_space<hbm>> -> memref<64x128xf32, #tpu.memory_space<hbm>>
      tpu.enqueue_dma source(%dma_start3A_104 : memref<64x128xf32, #tpu.memory_space<hbm>>) target(%dma_start3A_102 : memref<64x128xf32, #tpu.memory_space<vmem>>) target_semaphore(%dma_start3A_98 : memref<!tpu.dma_semaphore, #tpu.memory_space<semaphore_mem>>)
    } else {
    }
    %gt3A_21 = arith.constant 3 : i32
    %gt3A_22 = arith.cmpi sgt, %add3A_8, %gt3A_21 : i32
    %convert_element_type3A_23 = arith.extui %gt3A_22 : i1 to i32
    %cond3A_24 = arith.constant 0 : i32
    %cond3A_25 = arith.cmpi ne, %convert_element_type3A_23, %cond3A_24 : i32
    scf.if %cond3A_25 {
      %add3A_71 = arith.constant 3 : i32
      %add3A_72 = arith.addi %add3A_4, %add3A_71 : i32
      %mul3A_73 = arith.constant 64 : i32
      %mul3A_74 = arith.muli %add3A_72, %mul3A_73 : i32
      %dma_start3A = arith.constant 1 : i32
      %dma_start3A_75 = arith.constant 3 : i32
      %dma_start3A_76 = arith.constant 3 : i32
      %dma_start3A_77 = arith.constant 0 : i32
      %dma_start3A_78 = tpu.memref_slice %arg7[%dma_start3A_75, %dma_start3A_77] : memref<4x64xi32, #tpu.memory_space<vmem>> -> memref<1x64xi32, #tpu.memory_space<vmem>>
      %dma_start3A_79 = tpu.memref_squeeze %dma_start3A_78 : memref<1x64xi32, #tpu.memory_space<vmem>> -> memref<64xi32, #tpu.memory_space<vmem>>
      %dma_start3A_80 = tpu.memref_slice %arg3[%dma_start3A, %mul3A_74] : memref<2x320000xi32, #tpu.memory_space<hbm>> -> memref<1x64xi32, #tpu.memory_space<hbm>>
      %dma_start3A_81 = tpu.memref_squeeze %dma_start3A_80 : memref<1x64xi32, #tpu.memory_space<hbm>> -> memref<64xi32, #tpu.memory_space<hbm>>
      %dma_start3A_82 = tpu.memref_slice %arg10[%dma_start3A_76] : memref<4x!tpu.dma_semaphore, #tpu.memory_space<semaphore_mem>> -> memref<1x!tpu.dma_semaphore, #tpu.memory_space<semaphore_mem>>
      %dma_start3A_83 = tpu.memref_squeeze %dma_start3A_82 : memref<1x!tpu.dma_semaphore, #tpu.memory_space<semaphore_mem>> -> memref<!tpu.dma_semaphore, #tpu.memory_space<semaphore_mem>>
      %dma_start3A_84 = arith.constant 0 : i32
      %dma_start3A_85 = tpu.memref_slice %arg7[%dma_start3A_75, %dma_start3A_84] : memref<4x64xi32, #tpu.memory_space<vmem>> -> memref<1x64xi32, #tpu.memory_space<vmem>>
      %dma_start3A_86 = tpu.memref_squeeze %dma_start3A_85 : memref<1x64xi32, #tpu.memory_space<vmem>> -> memref<64xi32, #tpu.memory_space<vmem>>
      %dma_start3A_87 = tpu.memref_slice %arg3[%dma_start3A, %mul3A_74] : memref<2x320000xi32, #tpu.memory_space<hbm>> -> memref<1x64xi32, #tpu.memory_space<hbm>>
      %dma_start3A_88 = tpu.memref_squeeze %dma_start3A_87 : memref<1x64xi32, #tpu.memory_space<hbm>> -> memref<64xi32, #tpu.memory_space<hbm>>
      tpu.enqueue_dma source(%dma_start3A_88 : memref<64xi32, #tpu.memory_space<hbm>>) target(%dma_start3A_86 : memref<64xi32, #tpu.memory_space<vmem>>) target_semaphore(%dma_start3A_83 : memref<!tpu.dma_semaphore, #tpu.memory_space<semaphore_mem>>)
      %dma_start3A_89 = arith.constant 3 : i32
      %dma_start3A_90 = arith.constant 3 : i32
      %dma_start3A_91 = arith.constant 0 : i32
      %dma_start3A_92 = arith.constant 0 : i32
      %dma_start3A_93 = tpu.memref_slice %arg6[%dma_start3A_89, %dma_start3A_91, %dma_start3A_92] : memref<4x64x128xf32, #tpu.memory_space<vmem>> -> memref<1x64x128xf32, #tpu.memory_space<vmem>>
      %dma_start3A_94 = tpu.memref_squeeze %dma_start3A_93 : memref<1x64x128xf32, #tpu.memory_space<vmem>> -> memref<64x128xf32, #tpu.memory_space<vmem>>
      %dma_start3A_95 = arith.constant 0 : i32
      %dma_start3A_96 = tpu.memref_slice %arg2[%mul3A_74, %dma_start3A_95] : memref<320000x128xf32, #tpu.memory_space<hbm>> -> memref<64x128xf32, #tpu.memory_space<hbm>>
      %dma_start3A_97 = tpu.memref_slice %arg9[%dma_start3A_90] : memref<4x!tpu.dma_semaphore, #tpu.memory_space<semaphore_mem>> -> memref<1x!tpu.dma_semaphore, #tpu.memory_space<semaphore_mem>>
      %dma_start3A_98 = tpu.memref_squeeze %dma_start3A_97 : memref<1x!tpu.dma_semaphore, #tpu.memory_space<semaphore_mem>> -> memref<!tpu.dma_semaphore, #tpu.memory_space<semaphore_mem>>
      %dma_start3A_99 = arith.constant 0 : i32
      %dma_start3A_100 = arith.constant 0 : i32
      %dma_start3A_101 = tpu.memref_slice %arg6[%dma_start3A_89, %dma_start3A_99, %dma_start3A_100] : memref<4x64x128xf32, #tpu.memory_space<vmem>> -> memref<1x64x128xf32, #tpu.memory_space<vmem>>
      %dma_start3A_102 = tpu.memref_squeeze %dma_start3A_101 : memref<1x64x128xf32, #tpu.memory_space<vmem>> -> memref<64x128xf32, #tpu.memory_space<vmem>>
      %dma_start3A_103 = arith.constant 0 : i32
      %dma_start3A_104 = tpu.memref_slice %arg2[%mul3A_74, %dma_start3A_103] : memref<320000x128xf32, #tpu.memory_space<hbm>> -> memref<64x128xf32, #tpu.memory_space<hbm>>
      tpu.enqueue_dma source(%dma_start3A_104 : memref<64x128xf32, #tpu.memory_space<hbm>>) target(%dma_start3A_102 : memref<64x128xf32, #tpu.memory_space<vmem>>) target_semaphore(%dma_start3A_98 : memref<!tpu.dma_semaphore, #tpu.memory_space<semaphore_mem>>)
    } else {
    }
    %scan3A = arith.constant 0 : i32
    %scan3A_26 = arith.constant 64 : i32
    %scan3A_27 = arith.addi %scan3A, %scan3A_26 : i32
    %scan3A_28 = arith.constant 1 : i32
    scf.for %scan3A_71 = %scan3A to %scan3A_27 step %scan3A_28  : i32 {
      %mul3A_72 = arith.constant 1 : i32
      %mul3A_73 = arith.muli %scan3A_71, %mul3A_72 : i32
      %add3A_74 = arith.constant 0 : i32
      %add3A_75 = arith.addi %add3A_74, %mul3A_73 : i32
      %scan3A_76 = arith.constant 0 : i32
      %scan3A_77 = arith.constant 8 : i32
      %scan3A_78 = arith.addi %scan3A_76, %scan3A_77 : i32
      %scan3A_79 = arith.constant 1 : i32
      scf.for %scan3A_81 = %scan3A_76 to %scan3A_78 step %scan3A_79  : i32 {
        %mul3A_82 = arith.constant 16 : i32
        %mul3A_83 = arith.muli %scan3A_81, %mul3A_82 : i32
        %add3A_84 = arith.constant 0 : i32
        %add3A_85 = arith.addi %add3A_84, %mul3A_83 : i32
        %broadcast_in_dim3A = arith.constant 0.000000e+00 : f32
        %broadcast_in_dim3A_86 = vector.broadcast %broadcast_in_dim3A : f32 to vector<16xf32>
        %swap3A = arith.index_cast %add3A_75 : i32 to index
        %swap3A_87 = arith.index_cast %add3A_85 : i32 to index
        %swap3A_88 = tpu.vector_load %arg8[%swap3A, %swap3A_87] {strides = array<i32>} : memref<64x128xf32, #tpu.memory_space<vmem>>, vector<1x16xf32>,
        %swap3A_89 = vector.shape_cast %swap3A_88 : vector<1x16xf32> to vector<16xf32>
        %swap3A_90 = vector.shape_cast %broadcast_in_dim3A_86 : vector<16xf32> to vector<1x16xf32>
        tpu.vector_store %arg8[%swap3A, %swap3A_87], %swap3A_90 {strides = array<i32>} : memref<64x128xf32, #tpu.memory_space<vmem>>, vector<1x16xf32>,
      }
      %scan3A_80 = arith.constant 8 : i32
    }
    %scan3A_29 = arith.constant 64 : i32
    %scan3A_30 = arith.constant 0 : i32
    %scan3A_31 = arith.constant 10 : i32
    %scan3A_32 = arith.addi %scan3A_30, %scan3A_31 : i32
    %scan3A_33 = arith.constant 1 : i32
    scf.for %scan3A_71 = %scan3A_30 to %scan3A_32 step %scan3A_33  : i32 {
      %mul3A_72 = arith.constant 1 : i32
      %mul3A_73 = arith.muli %scan3A_71, %mul3A_72 : i32
      %add3A_74 = arith.constant 0 : i32
      %add3A_75 = arith.addi %add3A_74, %mul3A_73 : i32
      %mul3A_76 = arith.constant 640 : i32
      %mul3A_77 = arith.muli %arg1, %mul3A_76 : i32
      %mul3A_78 = arith.constant 64 : i32
      %mul3A_79 = arith.muli %add3A_75, %mul3A_78 : i32
      %add3A_80 = arith.addi %mul3A_77, %mul3A_79 : i32
      "tpu.region"() ({
        %run_scoped3A = tpu.sem_alloc : memref<!tpu.dma_semaphore, #tpu.memory_space<semaphore_mem>>
        %dma_start3A = arith.constant 0 : i32
        %dma_start3A_81 = tpu.memref_slice %arg5[%add3A_80, %dma_start3A] : memref<10240x128xf32, #tpu.memory_space<vmem_shared>> -> memref<64x128xf32, #tpu.memory_space<vmem_shared>>
        %dma_start3A_82 = arith.constant 0 : i32
        %dma_start3A_83 = tpu.memref_slice %arg5[%add3A_80, %dma_start3A_82] : memref<10240x128xf32, #tpu.memory_space<vmem_shared>> -> memref<64x128xf32, #tpu.memory_space<vmem_shared>>
        tpu.enqueue_dma source(%arg8 : memref<64x128xf32, #tpu.memory_space<vmem>>) target(%dma_start3A_83 : memref<64x128xf32, #tpu.memory_space<vmem_shared>>) target_semaphore(%run_scoped3A : memref<!tpu.dma_semaphore, #tpu.memory_space<semaphore_mem>>)
        %dma_wait3A = arith.constant 0 : i32
        %dma_wait3A_84 = tpu.memref_slice %arg5[%add3A_80, %dma_wait3A] : memref<10240x128xf32, #tpu.memory_space<vmem_shared>> -> memref<64x128xf32, #tpu.memory_space<vmem_shared>>
        %dma_wait3A_85 = arith.constant 0 : i32
        %dma_wait3A_86 = tpu.memref_slice %arg5[%add3A_80, %dma_wait3A_85] : memref<10240x128xf32, #tpu.memory_space<vmem_shared>> -> memref<64x128xf32, #tpu.memory_space<vmem_shared>>
        tpu.wait_dma2 semaphore(%run_scoped3A : memref<!tpu.dma_semaphore, #tpu.memory_space<semaphore_mem>>) src(%arg8 : memref<64x128xf32, #tpu.memory_space<vmem>>) dst(%dma_wait3A_86 : memref<64x128xf32, #tpu.memory_space<vmem_shared>>)
        tpu.yield
      }) : () -> ()
    }
    %scan3A_34 = arith.constant 10 : i32
    %barrier3A = arith.constant 0 : index
    tpu.barrier barrier_id(%barrier3A)
    %add3A_35 = arith.constant 4 : i32
    %add3A_36 = arith.addi %add3A_8, %add3A_35 : i32
    %sub3A = arith.constant 1 : i32
    %sub3A_37 = arith.subi %add3A_36, %sub3A : i32
    %jit3A_38 = arith.constant 4 : i32
    %div3A = arith.divsi %sub3A_37, %jit3A_38 : i32
    %sign3A = arith.constant 0 : i32
    %sign3A_39 = arith.cmpi sgt, %sub3A_37, %sign3A : i32
    %sign3A_40 = arith.extui %sign3A_39 : i1 to i32
    %sign3A_41 = arith.constant 0 : i32
    %sign3A_42 = arith.cmpi slt, %sub3A_37, %sign3A_41 : i32
    %sign3A_43 = arith.extui %sign3A_42 : i1 to i32
    %sign3A_44 = arith.subi %sign3A_40, %sign3A_43 : i32
    %sign3A_45 = arith.constant 0 : i32
    %sign3A_46 = arith.cmpi sgt, %jit3A_38, %sign3A_45 : i32
    %sign3A_47 = arith.extui %sign3A_46 : i1 to i32
    %sign3A_48 = arith.constant 0 : i32
    %sign3A_49 = arith.cmpi slt, %jit3A_38, %sign3A_48 : i32
    %sign3A_50 = arith.extui %sign3A_49 : i1 to i32
    %sign3A_51 = arith.subi %sign3A_47, %sign3A_50 : i32
    %ne3A = arith.cmpi ne, %sign3A_44, %sign3A_51 : i32
    %rem3A = arith.remsi %sub3A_37, %jit3A_38 : i32
    %ne3A_52 = arith.constant 0 : i32
    %ne3A_53 = arith.cmpi ne, %rem3A, %ne3A_52 : i32
    %and3A = arith.andi %ne3A, %ne3A_53 : i1
    %sub3A_54 = arith.constant 1 : i32
    %sub3A_55 = arith.subi %div3A, %sub3A_54 : i32
    %select_n3A_56 = arith.select %and3A, %sub3A_55, %div3A : i32
    %while3A = arith.constant 0 : i32
    %while3A_57 = arith.constant 0 : i32
    %while3A_58 = arith.subi %select_n3A_56, %while3A_57 : i32
    %while3A_59 = arith.addi %while3A_57, %while3A_58 : i32
    %while3A_60 = arith.constant 1 : i32
    %while3A_61 = arith.divsi %while3A_58, %while3A_60 : i32
    %while3A_62 = arith.muli %while3A_61, %while3A_60 : i32
    %while3A_63 = arith.addi %while3A_57, %while3A_62 : i32
    %while3A_64 = arith.constant 1 : i32
    scf.for %while3A_71 = %while3A_57 to %while3A_63 step %while3A_64  : i32 {
      %mul3A_72 = arith.constant 4 : i32
      %mul3A_73 = arith.muli %mul3A_72, %while3A_71 : i32
      %add3A_74 = arith.constant 0 : i32
      %add3A_75 = arith.addi %mul3A_73, %add3A_74 : i32
      %lt3A_76 = arith.cmpi slt, %add3A_75, %add3A_8 : i32
      %convert_element_type3A_77 = arith.extui %lt3A_76 : i1 to i32
      %cond3A_78 = arith.constant 0 : i32
      %cond3A_79 = arith.cmpi ne, %convert_element_type3A_77, %cond3A_78 : i32
      scf.if %cond3A_79 {
        %add3A_98 = arith.addi %add3A_4, %add3A_75 : i32
        %mul3A_99 = arith.constant 64 : i32
        %mul3A_100 = arith.muli %add3A_98, %mul3A_99 : i32
        %dma_wait3A = arith.constant 1 : i32
        %dma_wait3A_101 = arith.constant 0 : i32
        %dma_wait3A_102 = arith.constant 0 : i32
        %dma_wait3A_103 = arith.constant 0 : i32
        %dma_wait3A_104 = tpu.memref_slice %arg7[%dma_wait3A_101, %dma_wait3A_103] : memref<4x64xi32, #tpu.memory_space<vmem>> -> memref<1x64xi32, #tpu.memory_space<vmem>>
        %dma_wait3A_105 = tpu.memref_squeeze %dma_wait3A_104 : memref<1x64xi32, #tpu.memory_space<vmem>> -> memref<64xi32, #tpu.memory_space<vmem>>
        %dma_wait3A_106 = tpu.memref_slice %arg3[%dma_wait3A, %mul3A_100] : memref<2x320000xi32, #tpu.memory_space<hbm>> -> memref<1x64xi32, #tpu.memory_space<hbm>>
        %dma_wait3A_107 = tpu.memref_squeeze %dma_wait3A_106 : memref<1x64xi32, #tpu.memory_space<hbm>> -> memref<64xi32, #tpu.memory_space<hbm>>
        %dma_wait3A_108 = tpu.memref_slice %arg10[%dma_wait3A_102] : memref<4x!tpu.dma_semaphore, #tpu.memory_space<semaphore_mem>> -> memref<1x!tpu.dma_semaphore, #tpu.memory_space<semaphore_mem>>
        %dma_wait3A_109 = tpu.memref_squeeze %dma_wait3A_108 : memref<1x!tpu.dma_semaphore, #tpu.memory_space<semaphore_mem>> -> memref<!tpu.dma_semaphore, #tpu.memory_space<semaphore_mem>>
        %dma_wait3A_110 = arith.constant 0 : i32
        %dma_wait3A_111 = tpu.memref_slice %arg7[%dma_wait3A_101, %dma_wait3A_110] : memref<4x64xi32, #tpu.memory_space<vmem>> -> memref<1x64xi32, #tpu.memory_space<vmem>>
        %dma_wait3A_112 = tpu.memref_squeeze %dma_wait3A_111 : memref<1x64xi32, #tpu.memory_space<vmem>> -> memref<64xi32, #tpu.memory_space<vmem>>
        %dma_wait3A_113 = tpu.memref_slice %arg3[%dma_wait3A, %mul3A_100] : memref<2x320000xi32, #tpu.memory_space<hbm>> -> memref<1x64xi32, #tpu.memory_space<hbm>>
        %dma_wait3A_114 = tpu.memref_squeeze %dma_wait3A_113 : memref<1x64xi32, #tpu.memory_space<hbm>> -> memref<64xi32, #tpu.memory_space<hbm>>
        tpu.wait_dma2 semaphore(%dma_wait3A_109 : memref<!tpu.dma_semaphore, #tpu.memory_space<semaphore_mem>>) src(%dma_wait3A_114 : memref<64xi32, #tpu.memory_space<hbm>>) dst(%dma_wait3A_112 : memref<64xi32, #tpu.memory_space<vmem>>)
        %dma_wait3A_115 = arith.constant 0 : i32
        %dma_wait3A_116 = arith.constant 0 : i32
        %dma_wait3A_117 = arith.constant 0 : i32
        %dma_wait3A_118 = arith.constant 0 : i32
        %dma_wait3A_119 = tpu.memref_slice %arg6[%dma_wait3A_115, %dma_wait3A_117, %dma_wait3A_118] : memref<4x64x128xf32, #tpu.memory_space<vmem>> -> memref<1x64x128xf32, #tpu.memory_space<vmem>>
        %dma_wait3A_120 = tpu.memref_squeeze %dma_wait3A_119 : memref<1x64x128xf32, #tpu.memory_space<vmem>> -> memref<64x128xf32, #tpu.memory_space<vmem>>
        %dma_wait3A_121 = arith.constant 0 : i32
        %dma_wait3A_122 = tpu.memref_slice %arg2[%mul3A_100, %dma_wait3A_121] : memref<320000x128xf32, #tpu.memory_space<hbm>> -> memref<64x128xf32, #tpu.memory_space<hbm>>
        %dma_wait3A_123 = tpu.memref_slice %arg9[%dma_wait3A_116] : memref<4x!tpu.dma_semaphore, #tpu.memory_space<semaphore_mem>> -> memref<1x!tpu.dma_semaphore, #tpu.memory_space<semaphore_mem>>
        %dma_wait3A_124 = tpu.memref_squeeze %dma_wait3A_123 : memref<1x!tpu.dma_semaphore, #tpu.memory_space<semaphore_mem>> -> memref<!tpu.dma_semaphore, #tpu.memory_space<semaphore_mem>>
        %dma_wait3A_125 = arith.constant 0 : i32
        %dma_wait3A_126 = arith.constant 0 : i32
        %dma_wait3A_127 = tpu.memref_slice %arg6[%dma_wait3A_115, %dma_wait3A_125, %dma_wait3A_126] : memref<4x64x128xf32, #tpu.memory_space<vmem>> -> memref<1x64x128xf32, #tpu.memory_space<vmem>>
        %dma_wait3A_128 = tpu.memref_squeeze %dma_wait3A_127 : memref<1x64x128xf32, #tpu.memory_space<vmem>> -> memref<64x128xf32, #tpu.memory_space<vmem>>
        %dma_wait3A_129 = arith.constant 0 : i32
        %dma_wait3A_130 = tpu.memref_slice %arg2[%mul3A_100, %dma_wait3A_129] : memref<320000x128xf32, #tpu.memory_space<hbm>> -> memref<64x128xf32, #tpu.memory_space<hbm>>
        tpu.wait_dma2 semaphore(%dma_wait3A_124 : memref<!tpu.dma_semaphore, #tpu.memory_space<semaphore_mem>>) src(%dma_wait3A_130 : memref<64x128xf32, #tpu.memory_space<hbm>>) dst(%dma_wait3A_128 : memref<64x128xf32, #tpu.memory_space<vmem>>)
        %run_scoped3A = arith.constant 0 : i32
        %run_scoped3A_131 = arith.constant 0 : i32
        "tpu.region"() ({
          %run_scoped3A_138 = tpu.sem_alloc : memref<!tpu.dma_semaphore, #tpu.memory_space<semaphore_mem>>
          %dma_start3A = arith.constant 0 : i32
          %dma_start3A_139 = arith.constant 0 : i32
          %dma_start3A_140 = tpu.memref_slice %arg6[%run_scoped3A, %dma_start3A, %dma_start3A_139] : memref<4x64x128xf32, #tpu.memory_space<vmem>> -> memref<1x64x128xf32, #tpu.memory_space<vmem>>
          %dma_start3A_141 = tpu.memref_squeeze %dma_start3A_140 : memref<1x64x128xf32, #tpu.memory_space<vmem>> -> memref<64x128xf32, #tpu.memory_space<vmem>>
          %dma_start3A_142 = arith.constant 0 : i32
          %dma_start3A_143 = tpu.memref_slice %arg7[%run_scoped3A_131, %dma_start3A_142] : memref<4x64xi32, #tpu.memory_space<vmem>> -> memref<1x64xi32, #tpu.memory_space<vmem>>
          %dma_start3A_144 = tpu.memref_squeeze %dma_start3A_143 : memref<1x64xi32, #tpu.memory_space<vmem>> -> memref<64xi32, #tpu.memory_space<vmem>>
          %dma_start3A_145 = arith.constant 0 : i32
          %dma_start3A_146 = arith.constant 0 : i32
          %dma_start3A_147 = tpu.memref_slice %arg5[%dma_start3A_145, %dma_start3A_146] : memref<10240x128xf32, #tpu.memory_space<vmem_shared>> -> memref<10240x128xf32, #tpu.memory_space<vmem_shared>>
          tpu.enqueue_indirect_dma source(%dma_start3A_141 : memref<64x128xf32, #tpu.memory_space<vmem>>) target(%dma_start3A_147 : memref<10240x128xf32, #tpu.memory_space<vmem_shared>>) offsets(%dma_start3A_144 : memref<64xi32, #tpu.memory_space<vmem>>) semaphore(%run_scoped3A_138 : memref<!tpu.dma_semaphore, #tpu.memory_space<semaphore_mem>>) {add = true}
          %dma_wait3A_148 = arith.constant 0 : i32
          %dma_wait3A_149 = arith.constant 0 : i32
          %dma_wait3A_150 = tpu.memref_slice %arg6[%run_scoped3A, %dma_wait3A_148, %dma_wait3A_149] : memref<4x64x128xf32, #tpu.memory_space<vmem>> -> memref<1x64x128xf32, #tpu.memory_space<vmem>>
          %dma_wait3A_151 = tpu.memref_squeeze %dma_wait3A_150 : memref<1x64x128xf32, #tpu.memory_space<vmem>> -> memref<64x128xf32, #tpu.memory_space<vmem>>
          %dma_wait3A_152 = arith.constant 0 : i32
          %dma_wait3A_153 = tpu.memref_slice %arg7[%run_scoped3A_131, %dma_wait3A_152] : memref<4x64xi32, #tpu.memory_space<vmem>> -> memref<1x64xi32, #tpu.memory_space<vmem>>
          %dma_wait3A_154 = tpu.memref_squeeze %dma_wait3A_153 : memref<1x64xi32, #tpu.memory_space<vmem>> -> memref<64xi32, #tpu.memory_space<vmem>>
          %dma_wait3A_155 = arith.constant 0 : i32
          %dma_wait3A_156 = arith.constant 0 : i32
          %dma_wait3A_157 = tpu.memref_slice %arg5[%dma_wait3A_155, %dma_wait3A_156] : memref<10240x128xf32, #tpu.memory_space<vmem_shared>> -> memref<10240x128xf32, #tpu.memory_space<vmem_shared>>
          tpu.wait_indirect_dma semaphore(%run_scoped3A_138 : memref<!tpu.dma_semaphore, #tpu.memory_space<semaphore_mem>>) src(%dma_wait3A_151 : memref<64x128xf32, #tpu.memory_space<vmem>>) dst(%dma_wait3A_157 : memref<10240x128xf32, #tpu.memory_space<vmem_shared>>)
          tpu.yield
        }) : () -> ()
        %add3A_132 = arith.constant 4 : i32
        %add3A_133 = arith.addi %add3A_75, %add3A_132 : i32
        %lt3A_134 = arith.cmpi slt, %add3A_133, %add3A_8 : i32
        %convert_element_type3A_135 = arith.extui %lt3A_134 : i1 to i32
        %cond3A_136 = arith.constant 0 : i32
        %cond3A_137 = arith.cmpi ne, %convert_element_type3A_135, %cond3A_136 : i32
        scf.if %cond3A_137 {
          %add3A_138 = arith.constant 4 : i32
          %add3A_139 = arith.addi %add3A_75, %add3A_138 : i32
          %add3A_140 = arith.addi %add3A_4, %add3A_139 : i32
          %mul3A_141 = arith.constant 64 : i32
          %mul3A_142 = arith.muli %add3A_140, %mul3A_141 : i32
          %dma_start3A = arith.constant 1 : i32
          %dma_start3A_143 = arith.constant 0 : i32
          %dma_start3A_144 = arith.constant 0 : i32
          %dma_start3A_145 = arith.constant 0 : i32
          %dma_start3A_146 = tpu.memref_slice %arg7[%dma_start3A_143, %dma_start3A_145] : memref<4x64xi32, #tpu.memory_space<vmem>> -> memref<1x64xi32, #tpu.memory_space<vmem>>
          %dma_start3A_147 = tpu.memref_squeeze %dma_start3A_146 : memref<1x64xi32, #tpu.memory_space<vmem>> -> memref<64xi32, #tpu.memory_space<vmem>>
          %dma_start3A_148 = tpu.memref_slice %arg3[%dma_start3A, %mul3A_142] : memref<2x320000xi32, #tpu.memory_space<hbm>> -> memref<1x64xi32, #tpu.memory_space<hbm>>
          %dma_start3A_149 = tpu.memref_squeeze %dma_start3A_148 : memref<1x64xi32, #tpu.memory_space<hbm>> -> memref<64xi32, #tpu.memory_space<hbm>>
          %dma_start3A_150 = tpu.memref_slice %arg10[%dma_start3A_144] : memref<4x!tpu.dma_semaphore, #tpu.memory_space<semaphore_mem>> -> memref<1x!tpu.dma_semaphore, #tpu.memory_space<semaphore_mem>>
          %dma_start3A_151 = tpu.memref_squeeze %dma_start3A_150 : memref<1x!tpu.dma_semaphore, #tpu.memory_space<semaphore_mem>> -> memref<!tpu.dma_semaphore, #tpu.memory_space<semaphore_mem>>
          %dma_start3A_152 = arith.constant 0 : i32
          %dma_start3A_153 = tpu.memref_slice %arg7[%dma_start3A_143, %dma_start3A_152] : memref<4x64xi32, #tpu.memory_space<vmem>> -> memref<1x64xi32, #tpu.memory_space<vmem>>
          %dma_start3A_154 = tpu.memref_squeeze %dma_start3A_153 : memref<1x64xi32, #tpu.memory_space<vmem>> -> memref<64xi32, #tpu.memory_space<vmem>>
          %dma_start3A_155 = tpu.memref_slice %arg3[%dma_start3A, %mul3A_142] : memref<2x320000xi32, #tpu.memory_space<hbm>> -> memref<1x64xi32, #tpu.memory_space<hbm>>
          %dma_start3A_156 = tpu.memref_squeeze %dma_start3A_155 : memref<1x64xi32, #tpu.memory_space<hbm>> -> memref<64xi32, #tpu.memory_space<hbm>>
          tpu.enqueue_dma source(%dma_start3A_156 : memref<64xi32, #tpu.memory_space<hbm>>) target(%dma_start3A_154 : memref<64xi32, #tpu.memory_space<vmem>>) target_semaphore(%dma_start3A_151 : memref<!tpu.dma_semaphore, #tpu.memory_space<semaphore_mem>>)
          %dma_start3A_157 = arith.constant 0 : i32
          %dma_start3A_158 = arith.constant 0 : i32
          %dma_start3A_159 = arith.constant 0 : i32
          %dma_start3A_160 = arith.constant 0 : i32
          %dma_start3A_161 = tpu.memref_slice %arg6[%dma_start3A_157, %dma_start3A_159, %dma_start3A_160] : memref<4x64x128xf32, #tpu.memory_space<vmem>> -> memref<1x64x128xf32, #tpu.memory_space<vmem>>
          %dma_start3A_162 = tpu.memref_squeeze %dma_start3A_161 : memref<1x64x128xf32, #tpu.memory_space<vmem>> -> memref<64x128xf32, #tpu.memory_space<vmem>>
          %dma_start3A_163 = arith.constant 0 : i32
          %dma_start3A_164 = tpu.memref_slice %arg2[%mul3A_142, %dma_start3A_163] : memref<320000x128xf32, #tpu.memory_space<hbm>> -> memref<64x128xf32, #tpu.memory_space<hbm>>
          %dma_start3A_165 = tpu.memref_slice %arg9[%dma_start3A_158] : memref<4x!tpu.dma_semaphore, #tpu.memory_space<semaphore_mem>> -> memref<1x!tpu.dma_semaphore, #tpu.memory_space<semaphore_mem>>
          %dma_start3A_166 = tpu.memref_squeeze %dma_start3A_165 : memref<1x!tpu.dma_semaphore, #tpu.memory_space<semaphore_mem>> -> memref<!tpu.dma_semaphore, #tpu.memory_space<semaphore_mem>>
          %dma_start3A_167 = arith.constant 0 : i32
          %dma_start3A_168 = arith.constant 0 : i32
          %dma_start3A_169 = tpu.memref_slice %arg6[%dma_start3A_157, %dma_start3A_167, %dma_start3A_168] : memref<4x64x128xf32, #tpu.memory_space<vmem>> -> memref<1x64x128xf32, #tpu.memory_space<vmem>>
          %dma_start3A_170 = tpu.memref_squeeze %dma_start3A_169 : memref<1x64x128xf32, #tpu.memory_space<vmem>> -> memref<64x128xf32, #tpu.memory_space<vmem>>
          %dma_start3A_171 = arith.constant 0 : i32
          %dma_start3A_172 = tpu.memref_slice %arg2[%mul3A_142, %dma_start3A_171] : memref<320000x128xf32, #tpu.memory_space<hbm>> -> memref<64x128xf32, #tpu.memory_space<hbm>>
          tpu.enqueue_dma source(%dma_start3A_172 : memref<64x128xf32, #tpu.memory_space<hbm>>) target(%dma_start3A_170 : memref<64x128xf32, #tpu.memory_space<vmem>>) target_semaphore(%dma_start3A_166 : memref<!tpu.dma_semaphore, #tpu.memory_space<semaphore_mem>>)
        } else {
        }
      } else {
      }
      %add3A_80 = arith.constant 1 : i32
      %add3A_81 = arith.addi %mul3A_73, %add3A_80 : i32
      %lt3A_82 = arith.cmpi slt, %add3A_81, %add3A_8 : i32
      %convert_element_type3A_83 = arith.extui %lt3A_82 : i1 to i32
      %cond3A_84 = arith.constant 0 : i32
      %cond3A_85 = arith.cmpi ne, %convert_element_type3A_83, %cond3A_84 : i32
      scf.if %cond3A_85 {
        %add3A_98 = arith.addi %add3A_4, %add3A_81 : i32
        %mul3A_99 = arith.constant 64 : i32
        %mul3A_100 = arith.muli %add3A_98, %mul3A_99 : i32
        %dma_wait3A = arith.constant 1 : i32
        %dma_wait3A_101 = arith.constant 1 : i32
        %dma_wait3A_102 = arith.constant 1 : i32
        %dma_wait3A_103 = arith.constant 0 : i32
        %dma_wait3A_104 = tpu.memref_slice %arg7[%dma_wait3A_101, %dma_wait3A_103] : memref<4x64xi32, #tpu.memory_space<vmem>> -> memref<1x64xi32, #tpu.memory_space<vmem>>
        %dma_wait3A_105 = tpu.memref_squeeze %dma_wait3A_104 : memref<1x64xi32, #tpu.memory_space<vmem>> -> memref<64xi32, #tpu.memory_space<vmem>>
        %dma_wait3A_106 = tpu.memref_slice %arg3[%dma_wait3A, %mul3A_100] : memref<2x320000xi32, #tpu.memory_space<hbm>> -> memref<1x64xi32, #tpu.memory_space<hbm>>
        %dma_wait3A_107 = tpu.memref_squeeze %dma_wait3A_106 : memref<1x64xi32, #tpu.memory_space<hbm>> -> memref<64xi32, #tpu.memory_space<hbm>>
        %dma_wait3A_108 = tpu.memref_slice %arg10[%dma_wait3A_102] : memref<4x!tpu.dma_semaphore, #tpu.memory_space<semaphore_mem>> -> memref<1x!tpu.dma_semaphore, #tpu.memory_space<semaphore_mem>>
        %dma_wait3A_109 = tpu.memref_squeeze %dma_wait3A_108 : memref<1x!tpu.dma_semaphore, #tpu.memory_space<semaphore_mem>> -> memref<!tpu.dma_semaphore, #tpu.memory_space<semaphore_mem>>
        %dma_wait3A_110 = arith.constant 0 : i32
        %dma_wait3A_111 = tpu.memref_slice %arg7[%dma_wait3A_101, %dma_wait3A_110] : memref<4x64xi32, #tpu.memory_space<vmem>> -> memref<1x64xi32, #tpu.memory_space<vmem>>
        %dma_wait3A_112 = tpu.memref_squeeze %dma_wait3A_111 : memref<1x64xi32, #tpu.memory_space<vmem>> -> memref<64xi32, #tpu.memory_space<vmem>>
        %dma_wait3A_113 = tpu.memref_slice %arg3[%dma_wait3A, %mul3A_100] : memref<2x320000xi32, #tpu.memory_space<hbm>> -> memref<1x64xi32, #tpu.memory_space<hbm>>
        %dma_wait3A_114 = tpu.memref_squeeze %dma_wait3A_113 : memref<1x64xi32, #tpu.memory_space<hbm>> -> memref<64xi32, #tpu.memory_space<hbm>>
        tpu.wait_dma2 semaphore(%dma_wait3A_109 : memref<!tpu.dma_semaphore, #tpu.memory_space<semaphore_mem>>) src(%dma_wait3A_114 : memref<64xi32, #tpu.memory_space<hbm>>) dst(%dma_wait3A_112 : memref<64xi32, #tpu.memory_space<vmem>>)
        %dma_wait3A_115 = arith.constant 1 : i32
        %dma_wait3A_116 = arith.constant 1 : i32
        %dma_wait3A_117 = arith.constant 0 : i32
        %dma_wait3A_118 = arith.constant 0 : i32
        %dma_wait3A_119 = tpu.memref_slice %arg6[%dma_wait3A_115, %dma_wait3A_117, %dma_wait3A_118] : memref<4x64x128xf32, #tpu.memory_space<vmem>> -> memref<1x64x128xf32, #tpu.memory_space<vmem>>
        %dma_wait3A_120 = tpu.memref_squeeze %dma_wait3A_119 : memref<1x64x128xf32, #tpu.memory_space<vmem>> -> memref<64x128xf32, #tpu.memory_space<vmem>>
        %dma_wait3A_121 = arith.constant 0 : i32
        %dma_wait3A_122 = tpu.memref_slice %arg2[%mul3A_100, %dma_wait3A_121] : memref<320000x128xf32, #tpu.memory_space<hbm>> -> memref<64x128xf32, #tpu.memory_space<hbm>>
        %dma_wait3A_123 = tpu.memref_slice %arg9[%dma_wait3A_116] : memref<4x!tpu.dma_semaphore, #tpu.memory_space<semaphore_mem>> -> memref<1x!tpu.dma_semaphore, #tpu.memory_space<semaphore_mem>>
        %dma_wait3A_124 = tpu.memref_squeeze %dma_wait3A_123 : memref<1x!tpu.dma_semaphore, #tpu.memory_space<semaphore_mem>> -> memref<!tpu.dma_semaphore, #tpu.memory_space<semaphore_mem>>
        %dma_wait3A_125 = arith.constant 0 : i32
        %dma_wait3A_126 = arith.constant 0 : i32
        %dma_wait3A_127 = tpu.memref_slice %arg6[%dma_wait3A_115, %dma_wait3A_125, %dma_wait3A_126] : memref<4x64x128xf32, #tpu.memory_space<vmem>> -> memref<1x64x128xf32, #tpu.memory_space<vmem>>
        %dma_wait3A_128 = tpu.memref_squeeze %dma_wait3A_127 : memref<1x64x128xf32, #tpu.memory_space<vmem>> -> memref<64x128xf32, #tpu.memory_space<vmem>>
        %dma_wait3A_129 = arith.constant 0 : i32
        %dma_wait3A_130 = tpu.memref_slice %arg2[%mul3A_100, %dma_wait3A_129] : memref<320000x128xf32, #tpu.memory_space<hbm>> -> memref<64x128xf32, #tpu.memory_space<hbm>>
        tpu.wait_dma2 semaphore(%dma_wait3A_124 : memref<!tpu.dma_semaphore, #tpu.memory_space<semaphore_mem>>) src(%dma_wait3A_130 : memref<64x128xf32, #tpu.memory_space<hbm>>) dst(%dma_wait3A_128 : memref<64x128xf32, #tpu.memory_space<vmem>>)
        %run_scoped3A = arith.constant 1 : i32
        %run_scoped3A_131 = arith.constant 1 : i32
        "tpu.region"() ({
          %run_scoped3A_138 = tpu.sem_alloc : memref<!tpu.dma_semaphore, #tpu.memory_space<semaphore_mem>>
          %dma_start3A = arith.constant 0 : i32
          %dma_start3A_139 = arith.constant 0 : i32
          %dma_start3A_140 = tpu.memref_slice %arg6[%run_scoped3A, %dma_start3A, %dma_start3A_139] : memref<4x64x128xf32, #tpu.memory_space<vmem>> -> memref<1x64x128xf32, #tpu.memory_space<vmem>>
          %dma_start3A_141 = tpu.memref_squeeze %dma_start3A_140 : memref<1x64x128xf32, #tpu.memory_space<vmem>> -> memref<64x128xf32, #tpu.memory_space<vmem>>
          %dma_start3A_142 = arith.constant 0 : i32
          %dma_start3A_143 = tpu.memref_slice %arg7[%run_scoped3A_131, %dma_start3A_142] : memref<4x64xi32, #tpu.memory_space<vmem>> -> memref<1x64xi32, #tpu.memory_space<vmem>>
          %dma_start3A_144 = tpu.memref_squeeze %dma_start3A_143 : memref<1x64xi32, #tpu.memory_space<vmem>> -> memref<64xi32, #tpu.memory_space<vmem>>
          %dma_start3A_145 = arith.constant 0 : i32
          %dma_start3A_146 = arith.constant 0 : i32
          %dma_start3A_147 = tpu.memref_slice %arg5[%dma_start3A_145, %dma_start3A_146] : memref<10240x128xf32, #tpu.memory_space<vmem_shared>> -> memref<10240x128xf32, #tpu.memory_space<vmem_shared>>
          tpu.enqueue_indirect_dma source(%dma_start3A_141 : memref<64x128xf32, #tpu.memory_space<vmem>>) target(%dma_start3A_147 : memref<10240x128xf32, #tpu.memory_space<vmem_shared>>) offsets(%dma_start3A_144 : memref<64xi32, #tpu.memory_space<vmem>>) semaphore(%run_scoped3A_138 : memref<!tpu.dma_semaphore, #tpu.memory_space<semaphore_mem>>) {add = true}
          %dma_wait3A_148 = arith.constant 0 : i32
          %dma_wait3A_149 = arith.constant 0 : i32
          %dma_wait3A_150 = tpu.memref_slice %arg6[%run_scoped3A, %dma_wait3A_148, %dma_wait3A_149] : memref<4x64x128xf32, #tpu.memory_space<vmem>> -> memref<1x64x128xf32, #tpu.memory_space<vmem>>
          %dma_wait3A_151 = tpu.memref_squeeze %dma_wait3A_150 : memref<1x64x128xf32, #tpu.memory_space<vmem>> -> memref<64x128xf32, #tpu.memory_space<vmem>>
          %dma_wait3A_152 = arith.constant 0 : i32
          %dma_wait3A_153 = tpu.memref_slice %arg7[%run_scoped3A_131, %dma_wait3A_152] : memref<4x64xi32, #tpu.memory_space<vmem>> -> memref<1x64xi32, #tpu.memory_space<vmem>>
          %dma_wait3A_154 = tpu.memref_squeeze %dma_wait3A_153 : memref<1x64xi32, #tpu.memory_space<vmem>> -> memref<64xi32, #tpu.memory_space<vmem>>
          %dma_wait3A_155 = arith.constant 0 : i32
          %dma_wait3A_156 = arith.constant 0 : i32
          %dma_wait3A_157 = tpu.memref_slice %arg5[%dma_wait3A_155, %dma_wait3A_156] : memref<10240x128xf32, #tpu.memory_space<vmem_shared>> -> memref<10240x128xf32, #tpu.memory_space<vmem_shared>>
          tpu.wait_indirect_dma semaphore(%run_scoped3A_138 : memref<!tpu.dma_semaphore, #tpu.memory_space<semaphore_mem>>) src(%dma_wait3A_151 : memref<64x128xf32, #tpu.memory_space<vmem>>) dst(%dma_wait3A_157 : memref<10240x128xf32, #tpu.memory_space<vmem_shared>>)
          tpu.yield
        }) : () -> ()
        %add3A_132 = arith.constant 4 : i32
        %add3A_133 = arith.addi %add3A_81, %add3A_132 : i32
        %lt3A_134 = arith.cmpi slt, %add3A_133, %add3A_8 : i32
        %convert_element_type3A_135 = arith.extui %lt3A_134 : i1 to i32
        %cond3A_136 = arith.constant 0 : i32
        %cond3A_137 = arith.cmpi ne, %convert_element_type3A_135, %cond3A_136 : i32
        scf.if %cond3A_137 {
          %add3A_138 = arith.constant 4 : i32
          %add3A_139 = arith.addi %add3A_81, %add3A_138 : i32
          %add3A_140 = arith.addi %add3A_4, %add3A_139 : i32
          %mul3A_141 = arith.constant 64 : i32
          %mul3A_142 = arith.muli %add3A_140, %mul3A_141 : i32
          %dma_start3A = arith.constant 1 : i32
          %dma_start3A_143 = arith.constant 1 : i32
          %dma_start3A_144 = arith.constant 1 : i32
          %dma_start3A_145 = arith.constant 0 : i32
          %dma_start3A_146 = tpu.memref_slice %arg7[%dma_start3A_143, %dma_start3A_145] : memref<4x64xi32, #tpu.memory_space<vmem>> -> memref<1x64xi32, #tpu.memory_space<vmem>>
          %dma_start3A_147 = tpu.memref_squeeze %dma_start3A_146 : memref<1x64xi32, #tpu.memory_space<vmem>> -> memref<64xi32, #tpu.memory_space<vmem>>
          %dma_start3A_148 = tpu.memref_slice %arg3[%dma_start3A, %mul3A_142] : memref<2x320000xi32, #tpu.memory_space<hbm>> -> memref<1x64xi32, #tpu.memory_space<hbm>>
          %dma_start3A_149 = tpu.memref_squeeze %dma_start3A_148 : memref<1x64xi32, #tpu.memory_space<hbm>> -> memref<64xi32, #tpu.memory_space<hbm>>
          %dma_start3A_150 = tpu.memref_slice %arg10[%dma_start3A_144] : memref<4x!tpu.dma_semaphore, #tpu.memory_space<semaphore_mem>> -> memref<1x!tpu.dma_semaphore, #tpu.memory_space<semaphore_mem>>
          %dma_start3A_151 = tpu.memref_squeeze %dma_start3A_150 : memref<1x!tpu.dma_semaphore, #tpu.memory_space<semaphore_mem>> -> memref<!tpu.dma_semaphore, #tpu.memory_space<semaphore_mem>>
          %dma_start3A_152 = arith.constant 0 : i32
          %dma_start3A_153 = tpu.memref_slice %arg7[%dma_start3A_143, %dma_start3A_152] : memref<4x64xi32, #tpu.memory_space<vmem>> -> memref<1x64xi32, #tpu.memory_space<vmem>>
          %dma_start3A_154 = tpu.memref_squeeze %dma_start3A_153 : memref<1x64xi32, #tpu.memory_space<vmem>> -> memref<64xi32, #tpu.memory_space<vmem>>
          %dma_start3A_155 = tpu.memref_slice %arg3[%dma_start3A, %mul3A_142] : memref<2x320000xi32, #tpu.memory_space<hbm>> -> memref<1x64xi32, #tpu.memory_space<hbm>>
          %dma_start3A_156 = tpu.memref_squeeze %dma_start3A_155 : memref<1x64xi32, #tpu.memory_space<hbm>> -> memref<64xi32, #tpu.memory_space<hbm>>
          tpu.enqueue_dma source(%dma_start3A_156 : memref<64xi32, #tpu.memory_space<hbm>>) target(%dma_start3A_154 : memref<64xi32, #tpu.memory_space<vmem>>) target_semaphore(%dma_start3A_151 : memref<!tpu.dma_semaphore, #tpu.memory_space<semaphore_mem>>)
          %dma_start3A_157 = arith.constant 1 : i32
          %dma_start3A_158 = arith.constant 1 : i32
          %dma_start3A_159 = arith.constant 0 : i32
          %dma_start3A_160 = arith.constant 0 : i32
          %dma_start3A_161 = tpu.memref_slice %arg6[%dma_start3A_157, %dma_start3A_159, %dma_start3A_160] : memref<4x64x128xf32, #tpu.memory_space<vmem>> -> memref<1x64x128xf32, #tpu.memory_space<vmem>>
          %dma_start3A_162 = tpu.memref_squeeze %dma_start3A_161 : memref<1x64x128xf32, #tpu.memory_space<vmem>> -> memref<64x128xf32, #tpu.memory_space<vmem>>
          %dma_start3A_163 = arith.constant 0 : i32
          %dma_start3A_164 = tpu.memref_slice %arg2[%mul3A_142, %dma_start3A_163] : memref<320000x128xf32, #tpu.memory_space<hbm>> -> memref<64x128xf32, #tpu.memory_space<hbm>>
          %dma_start3A_165 = tpu.memref_slice %arg9[%dma_start3A_158] : memref<4x!tpu.dma_semaphore, #tpu.memory_space<semaphore_mem>> -> memref<1x!tpu.dma_semaphore, #tpu.memory_space<semaphore_mem>>
          %dma_start3A_166 = tpu.memref_squeeze %dma_start3A_165 : memref<1x!tpu.dma_semaphore, #tpu.memory_space<semaphore_mem>> -> memref<!tpu.dma_semaphore, #tpu.memory_space<semaphore_mem>>
          %dma_start3A_167 = arith.constant 0 : i32
          %dma_start3A_168 = arith.constant 0 : i32
          %dma_start3A_169 = tpu.memref_slice %arg6[%dma_start3A_157, %dma_start3A_167, %dma_start3A_168] : memref<4x64x128xf32, #tpu.memory_space<vmem>> -> memref<1x64x128xf32, #tpu.memory_space<vmem>>
          %dma_start3A_170 = tpu.memref_squeeze %dma_start3A_169 : memref<1x64x128xf32, #tpu.memory_space<vmem>> -> memref<64x128xf32, #tpu.memory_space<vmem>>
          %dma_start3A_171 = arith.constant 0 : i32
          %dma_start3A_172 = tpu.memref_slice %arg2[%mul3A_142, %dma_start3A_171] : memref<320000x128xf32, #tpu.memory_space<hbm>> -> memref<64x128xf32, #tpu.memory_space<hbm>>
          tpu.enqueue_dma source(%dma_start3A_172 : memref<64x128xf32, #tpu.memory_space<hbm>>) target(%dma_start3A_170 : memref<64x128xf32, #tpu.memory_space<vmem>>) target_semaphore(%dma_start3A_166 : memref<!tpu.dma_semaphore, #tpu.memory_space<semaphore_mem>>)
        } else {
        }
      } else {
      }
      %add3A_86 = arith.constant 2 : i32
      %add3A_87 = arith.addi %mul3A_73, %add3A_86 : i32
      %lt3A_88 = arith.cmpi slt, %add3A_87, %add3A_8 : i32
      %convert_element_type3A_89 = arith.extui %lt3A_88 : i1 to i32
      %cond3A_90 = arith.constant 0 : i32
      %cond3A_91 = arith.cmpi ne, %convert_element_type3A_89, %cond3A_90 : i32
      scf.if %cond3A_91 {
        %add3A_98 = arith.addi %add3A_4, %add3A_87 : i32
        %mul3A_99 = arith.constant 64 : i32
        %mul3A_100 = arith.muli %add3A_98, %mul3A_99 : i32
        %dma_wait3A = arith.constant 1 : i32
        %dma_wait3A_101 = arith.constant 2 : i32
        %dma_wait3A_102 = arith.constant 2 : i32
        %dma_wait3A_103 = arith.constant 0 : i32
        %dma_wait3A_104 = tpu.memref_slice %arg7[%dma_wait3A_101, %dma_wait3A_103] : memref<4x64xi32, #tpu.memory_space<vmem>> -> memref<1x64xi32, #tpu.memory_space<vmem>>
        %dma_wait3A_105 = tpu.memref_squeeze %dma_wait3A_104 : memref<1x64xi32, #tpu.memory_space<vmem>> -> memref<64xi32, #tpu.memory_space<vmem>>
        %dma_wait3A_106 = tpu.memref_slice %arg3[%dma_wait3A, %mul3A_100] : memref<2x320000xi32, #tpu.memory_space<hbm>> -> memref<1x64xi32, #tpu.memory_space<hbm>>
        %dma_wait3A_107 = tpu.memref_squeeze %dma_wait3A_106 : memref<1x64xi32, #tpu.memory_space<hbm>> -> memref<64xi32, #tpu.memory_space<hbm>>
        %dma_wait3A_108 = tpu.memref_slice %arg10[%dma_wait3A_102] : memref<4x!tpu.dma_semaphore, #tpu.memory_space<semaphore_mem>> -> memref<1x!tpu.dma_semaphore, #tpu.memory_space<semaphore_mem>>
        %dma_wait3A_109 = tpu.memref_squeeze %dma_wait3A_108 : memref<1x!tpu.dma_semaphore, #tpu.memory_space<semaphore_mem>> -> memref<!tpu.dma_semaphore, #tpu.memory_space<semaphore_mem>>
        %dma_wait3A_110 = arith.constant 0 : i32
        %dma_wait3A_111 = tpu.memref_slice %arg7[%dma_wait3A_101, %dma_wait3A_110] : memref<4x64xi32, #tpu.memory_space<vmem>> -> memref<1x64xi32, #tpu.memory_space<vmem>>
        %dma_wait3A_112 = tpu.memref_squeeze %dma_wait3A_111 : memref<1x64xi32, #tpu.memory_space<vmem>> -> memref<64xi32, #tpu.memory_space<vmem>>
        %dma_wait3A_113 = tpu.memref_slice %arg3[%dma_wait3A, %mul3A_100] : memref<2x320000xi32, #tpu.memory_space<hbm>> -> memref<1x64xi32, #tpu.memory_space<hbm>>
        %dma_wait3A_114 = tpu.memref_squeeze %dma_wait3A_113 : memref<1x64xi32, #tpu.memory_space<hbm>> -> memref<64xi32, #tpu.memory_space<hbm>>
        tpu.wait_dma2 semaphore(%dma_wait3A_109 : memref<!tpu.dma_semaphore, #tpu.memory_space<semaphore_mem>>) src(%dma_wait3A_114 : memref<64xi32, #tpu.memory_space<hbm>>) dst(%dma_wait3A_112 : memref<64xi32, #tpu.memory_space<vmem>>)
        %dma_wait3A_115 = arith.constant 2 : i32
        %dma_wait3A_116 = arith.constant 2 : i32
        %dma_wait3A_117 = arith.constant 0 : i32
        %dma_wait3A_118 = arith.constant 0 : i32
        %dma_wait3A_119 = tpu.memref_slice %arg6[%dma_wait3A_115, %dma_wait3A_117, %dma_wait3A_118] : memref<4x64x128xf32, #tpu.memory_space<vmem>> -> memref<1x64x128xf32, #tpu.memory_space<vmem>>
        %dma_wait3A_120 = tpu.memref_squeeze %dma_wait3A_119 : memref<1x64x128xf32, #tpu.memory_space<vmem>> -> memref<64x128xf32, #tpu.memory_space<vmem>>
        %dma_wait3A_121 = arith.constant 0 : i32
        %dma_wait3A_122 = tpu.memref_slice %arg2[%mul3A_100, %dma_wait3A_121] : memref<320000x128xf32, #tpu.memory_space<hbm>> -> memref<64x128xf32, #tpu.memory_space<hbm>>
        %dma_wait3A_123 = tpu.memref_slice %arg9[%dma_wait3A_116] : memref<4x!tpu.dma_semaphore, #tpu.memory_space<semaphore_mem>> -> memref<1x!tpu.dma_semaphore, #tpu.memory_space<semaphore_mem>>
        %dma_wait3A_124 = tpu.memref_squeeze %dma_wait3A_123 : memref<1x!tpu.dma_semaphore, #tpu.memory_space<semaphore_mem>> -> memref<!tpu.dma_semaphore, #tpu.memory_space<semaphore_mem>>
        %dma_wait3A_125 = arith.constant 0 : i32
        %dma_wait3A_126 = arith.constant 0 : i32
        %dma_wait3A_127 = tpu.memref_slice %arg6[%dma_wait3A_115, %dma_wait3A_125, %dma_wait3A_126] : memref<4x64x128xf32, #tpu.memory_space<vmem>> -> memref<1x64x128xf32, #tpu.memory_space<vmem>>
        %dma_wait3A_128 = tpu.memref_squeeze %dma_wait3A_127 : memref<1x64x128xf32, #tpu.memory_space<vmem>> -> memref<64x128xf32, #tpu.memory_space<vmem>>
        %dma_wait3A_129 = arith.constant 0 : i32
        %dma_wait3A_130 = tpu.memref_slice %arg2[%mul3A_100, %dma_wait3A_129] : memref<320000x128xf32, #tpu.memory_space<hbm>> -> memref<64x128xf32, #tpu.memory_space<hbm>>
        tpu.wait_dma2 semaphore(%dma_wait3A_124 : memref<!tpu.dma_semaphore, #tpu.memory_space<semaphore_mem>>) src(%dma_wait3A_130 : memref<64x128xf32, #tpu.memory_space<hbm>>) dst(%dma_wait3A_128 : memref<64x128xf32, #tpu.memory_space<vmem>>)
        %run_scoped3A = arith.constant 2 : i32
        %run_scoped3A_131 = arith.constant 2 : i32
        "tpu.region"() ({
          %run_scoped3A_138 = tpu.sem_alloc : memref<!tpu.dma_semaphore, #tpu.memory_space<semaphore_mem>>
          %dma_start3A = arith.constant 0 : i32
          %dma_start3A_139 = arith.constant 0 : i32
          %dma_start3A_140 = tpu.memref_slice %arg6[%run_scoped3A, %dma_start3A, %dma_start3A_139] : memref<4x64x128xf32, #tpu.memory_space<vmem>> -> memref<1x64x128xf32, #tpu.memory_space<vmem>>
          %dma_start3A_141 = tpu.memref_squeeze %dma_start3A_140 : memref<1x64x128xf32, #tpu.memory_space<vmem>> -> memref<64x128xf32, #tpu.memory_space<vmem>>
          %dma_start3A_142 = arith.constant 0 : i32
          %dma_start3A_143 = tpu.memref_slice %arg7[%run_scoped3A_131, %dma_start3A_142] : memref<4x64xi32, #tpu.memory_space<vmem>> -> memref<1x64xi32, #tpu.memory_space<vmem>>
          %dma_start3A_144 = tpu.memref_squeeze %dma_start3A_143 : memref<1x64xi32, #tpu.memory_space<vmem>> -> memref<64xi32, #tpu.memory_space<vmem>>
          %dma_start3A_145 = arith.constant 0 : i32
          %dma_start3A_146 = arith.constant 0 : i32
          %dma_start3A_147 = tpu.memref_slice %arg5[%dma_start3A_145, %dma_start3A_146] : memref<10240x128xf32, #tpu.memory_space<vmem_shared>> -> memref<10240x128xf32, #tpu.memory_space<vmem_shared>>
          tpu.enqueue_indirect_dma source(%dma_start3A_141 : memref<64x128xf32, #tpu.memory_space<vmem>>) target(%dma_start3A_147 : memref<10240x128xf32, #tpu.memory_space<vmem_shared>>) offsets(%dma_start3A_144 : memref<64xi32, #tpu.memory_space<vmem>>) semaphore(%run_scoped3A_138 : memref<!tpu.dma_semaphore, #tpu.memory_space<semaphore_mem>>) {add = true}
          %dma_wait3A_148 = arith.constant 0 : i32
          %dma_wait3A_149 = arith.constant 0 : i32
          %dma_wait3A_150 = tpu.memref_slice %arg6[%run_scoped3A, %dma_wait3A_148, %dma_wait3A_149] : memref<4x64x128xf32, #tpu.memory_space<vmem>> -> memref<1x64x128xf32, #tpu.memory_space<vmem>>
          %dma_wait3A_151 = tpu.memref_squeeze %dma_wait3A_150 : memref<1x64x128xf32, #tpu.memory_space<vmem>> -> memref<64x128xf32, #tpu.memory_space<vmem>>
          %dma_wait3A_152 = arith.constant 0 : i32
          %dma_wait3A_153 = tpu.memref_slice %arg7[%run_scoped3A_131, %dma_wait3A_152] : memref<4x64xi32, #tpu.memory_space<vmem>> -> memref<1x64xi32, #tpu.memory_space<vmem>>
          %dma_wait3A_154 = tpu.memref_squeeze %dma_wait3A_153 : memref<1x64xi32, #tpu.memory_space<vmem>> -> memref<64xi32, #tpu.memory_space<vmem>>
          %dma_wait3A_155 = arith.constant 0 : i32
          %dma_wait3A_156 = arith.constant 0 : i32
          %dma_wait3A_157 = tpu.memref_slice %arg5[%dma_wait3A_155, %dma_wait3A_156] : memref<10240x128xf32, #tpu.memory_space<vmem_shared>> -> memref<10240x128xf32, #tpu.memory_space<vmem_shared>>
          tpu.wait_indirect_dma semaphore(%run_scoped3A_138 : memref<!tpu.dma_semaphore, #tpu.memory_space<semaphore_mem>>) src(%dma_wait3A_151 : memref<64x128xf32, #tpu.memory_space<vmem>>) dst(%dma_wait3A_157 : memref<10240x128xf32, #tpu.memory_space<vmem_shared>>)
          tpu.yield
        }) : () -> ()
        %add3A_132 = arith.constant 4 : i32
        %add3A_133 = arith.addi %add3A_87, %add3A_132 : i32
        %lt3A_134 = arith.cmpi slt, %add3A_133, %add3A_8 : i32
        %convert_element_type3A_135 = arith.extui %lt3A_134 : i1 to i32
        %cond3A_136 = arith.constant 0 : i32
        %cond3A_137 = arith.cmpi ne, %convert_element_type3A_135, %cond3A_136 : i32
        scf.if %cond3A_137 {
          %add3A_138 = arith.constant 4 : i32
          %add3A_139 = arith.addi %add3A_87, %add3A_138 : i32
          %add3A_140 = arith.addi %add3A_4, %add3A_139 : i32
          %mul3A_141 = arith.constant 64 : i32
          %mul3A_142 = arith.muli %add3A_140, %mul3A_141 : i32
          %dma_start3A = arith.constant 1 : i32
          %dma_start3A_143 = arith.constant 2 : i32
          %dma_start3A_144 = arith.constant 2 : i32
          %dma_start3A_145 = arith.constant 0 : i32
          %dma_start3A_146 = tpu.memref_slice %arg7[%dma_start3A_143, %dma_start3A_145] : memref<4x64xi32, #tpu.memory_space<vmem>> -> memref<1x64xi32, #tpu.memory_space<vmem>>
          %dma_start3A_147 = tpu.memref_squeeze %dma_start3A_146 : memref<1x64xi32, #tpu.memory_space<vmem>> -> memref<64xi32, #tpu.memory_space<vmem>>
          %dma_start3A_148 = tpu.memref_slice %arg3[%dma_start3A, %mul3A_142] : memref<2x320000xi32, #tpu.memory_space<hbm>> -> memref<1x64xi32, #tpu.memory_space<hbm>>
          %dma_start3A_149 = tpu.memref_squeeze %dma_start3A_148 : memref<1x64xi32, #tpu.memory_space<hbm>> -> memref<64xi32, #tpu.memory_space<hbm>>
          %dma_start3A_150 = tpu.memref_slice %arg10[%dma_start3A_144] : memref<4x!tpu.dma_semaphore, #tpu.memory_space<semaphore_mem>> -> memref<1x!tpu.dma_semaphore, #tpu.memory_space<semaphore_mem>>
          %dma_start3A_151 = tpu.memref_squeeze %dma_start3A_150 : memref<1x!tpu.dma_semaphore, #tpu.memory_space<semaphore_mem>> -> memref<!tpu.dma_semaphore, #tpu.memory_space<semaphore_mem>>
          %dma_start3A_152 = arith.constant 0 : i32
          %dma_start3A_153 = tpu.memref_slice %arg7[%dma_start3A_143, %dma_start3A_152] : memref<4x64xi32, #tpu.memory_space<vmem>> -> memref<1x64xi32, #tpu.memory_space<vmem>>
          %dma_start3A_154 = tpu.memref_squeeze %dma_start3A_153 : memref<1x64xi32, #tpu.memory_space<vmem>> -> memref<64xi32, #tpu.memory_space<vmem>>
          %dma_start3A_155 = tpu.memref_slice %arg3[%dma_start3A, %mul3A_142] : memref<2x320000xi32, #tpu.memory_space<hbm>> -> memref<1x64xi32, #tpu.memory_space<hbm>>
          %dma_start3A_156 = tpu.memref_squeeze %dma_start3A_155 : memref<1x64xi32, #tpu.memory_space<hbm>> -> memref<64xi32, #tpu.memory_space<hbm>>
          tpu.enqueue_dma source(%dma_start3A_156 : memref<64xi32, #tpu.memory_space<hbm>>) target(%dma_start3A_154 : memref<64xi32, #tpu.memory_space<vmem>>) target_semaphore(%dma_start3A_151 : memref<!tpu.dma_semaphore, #tpu.memory_space<semaphore_mem>>)
          %dma_start3A_157 = arith.constant 2 : i32
          %dma_start3A_158 = arith.constant 2 : i32
          %dma_start3A_159 = arith.constant 0 : i32
          %dma_start3A_160 = arith.constant 0 : i32
          %dma_start3A_161 = tpu.memref_slice %arg6[%dma_start3A_157, %dma_start3A_159, %dma_start3A_160] : memref<4x64x128xf32, #tpu.memory_space<vmem>> -> memref<1x64x128xf32, #tpu.memory_space<vmem>>
          %dma_start3A_162 = tpu.memref_squeeze %dma_start3A_161 : memref<1x64x128xf32, #tpu.memory_space<vmem>> -> memref<64x128xf32, #tpu.memory_space<vmem>>
          %dma_start3A_163 = arith.constant 0 : i32
          %dma_start3A_164 = tpu.memref_slice %arg2[%mul3A_142, %dma_start3A_163] : memref<320000x128xf32, #tpu.memory_space<hbm>> -> memref<64x128xf32, #tpu.memory_space<hbm>>
          %dma_start3A_165 = tpu.memref_slice %arg9[%dma_start3A_158] : memref<4x!tpu.dma_semaphore, #tpu.memory_space<semaphore_mem>> -> memref<1x!tpu.dma_semaphore, #tpu.memory_space<semaphore_mem>>
          %dma_start3A_166 = tpu.memref_squeeze %dma_start3A_165 : memref<1x!tpu.dma_semaphore, #tpu.memory_space<semaphore_mem>> -> memref<!tpu.dma_semaphore, #tpu.memory_space<semaphore_mem>>
          %dma_start3A_167 = arith.constant 0 : i32
          %dma_start3A_168 = arith.constant 0 : i32
          %dma_start3A_169 = tpu.memref_slice %arg6[%dma_start3A_157, %dma_start3A_167, %dma_start3A_168] : memref<4x64x128xf32, #tpu.memory_space<vmem>> -> memref<1x64x128xf32, #tpu.memory_space<vmem>>
          %dma_start3A_170 = tpu.memref_squeeze %dma_start3A_169 : memref<1x64x128xf32, #tpu.memory_space<vmem>> -> memref<64x128xf32, #tpu.memory_space<vmem>>
          %dma_start3A_171 = arith.constant 0 : i32
          %dma_start3A_172 = tpu.memref_slice %arg2[%mul3A_142, %dma_start3A_171] : memref<320000x128xf32, #tpu.memory_space<hbm>> -> memref<64x128xf32, #tpu.memory_space<hbm>>
          tpu.enqueue_dma source(%dma_start3A_172 : memref<64x128xf32, #tpu.memory_space<hbm>>) target(%dma_start3A_170 : memref<64x128xf32, #tpu.memory_space<vmem>>) target_semaphore(%dma_start3A_166 : memref<!tpu.dma_semaphore, #tpu.memory_space<semaphore_mem>>)
        } else {
        }
      } else {
      }
      %add3A_92 = arith.constant 3 : i32
      %add3A_93 = arith.addi %mul3A_73, %add3A_92 : i32
      %lt3A_94 = arith.cmpi slt, %add3A_93, %add3A_8 : i32
      %convert_element_type3A_95 = arith.extui %lt3A_94 : i1 to i32
      %cond3A_96 = arith.constant 0 : i32
      %cond3A_97 = arith.cmpi ne, %convert_element_type3A_95, %cond3A_96 : i32
      scf.if %cond3A_97 {
        %add3A_98 = arith.addi %add3A_4, %add3A_93 : i32
        %mul3A_99 = arith.constant 64 : i32
        %mul3A_100 = arith.muli %add3A_98, %mul3A_99 : i32
        %dma_wait3A = arith.constant 1 : i32
        %dma_wait3A_101 = arith.constant 3 : i32
        %dma_wait3A_102 = arith.constant 3 : i32
        %dma_wait3A_103 = arith.constant 0 : i32
        %dma_wait3A_104 = tpu.memref_slice %arg7[%dma_wait3A_101, %dma_wait3A_103] : memref<4x64xi32, #tpu.memory_space<vmem>> -> memref<1x64xi32, #tpu.memory_space<vmem>>
        %dma_wait3A_105 = tpu.memref_squeeze %dma_wait3A_104 : memref<1x64xi32, #tpu.memory_space<vmem>> -> memref<64xi32, #tpu.memory_space<vmem>>
        %dma_wait3A_106 = tpu.memref_slice %arg3[%dma_wait3A, %mul3A_100] : memref<2x320000xi32, #tpu.memory_space<hbm>> -> memref<1x64xi32, #tpu.memory_space<hbm>>
        %dma_wait3A_107 = tpu.memref_squeeze %dma_wait3A_106 : memref<1x64xi32, #tpu.memory_space<hbm>> -> memref<64xi32, #tpu.memory_space<hbm>>
        %dma_wait3A_108 = tpu.memref_slice %arg10[%dma_wait3A_102] : memref<4x!tpu.dma_semaphore, #tpu.memory_space<semaphore_mem>> -> memref<1x!tpu.dma_semaphore, #tpu.memory_space<semaphore_mem>>
        %dma_wait3A_109 = tpu.memref_squeeze %dma_wait3A_108 : memref<1x!tpu.dma_semaphore, #tpu.memory_space<semaphore_mem>> -> memref<!tpu.dma_semaphore, #tpu.memory_space<semaphore_mem>>
        %dma_wait3A_110 = arith.constant 0 : i32
        %dma_wait3A_111 = tpu.memref_slice %arg7[%dma_wait3A_101, %dma_wait3A_110] : memref<4x64xi32, #tpu.memory_space<vmem>> -> memref<1x64xi32, #tpu.memory_space<vmem>>
        %dma_wait3A_112 = tpu.memref_squeeze %dma_wait3A_111 : memref<1x64xi32, #tpu.memory_space<vmem>> -> memref<64xi32, #tpu.memory_space<vmem>>
        %dma_wait3A_113 = tpu.memref_slice %arg3[%dma_wait3A, %mul3A_100] : memref<2x320000xi32, #tpu.memory_space<hbm>> -> memref<1x64xi32, #tpu.memory_space<hbm>>
        %dma_wait3A_114 = tpu.memref_squeeze %dma_wait3A_113 : memref<1x64xi32, #tpu.memory_space<hbm>> -> memref<64xi32, #tpu.memory_space<hbm>>
        tpu.wait_dma2 semaphore(%dma_wait3A_109 : memref<!tpu.dma_semaphore, #tpu.memory_space<semaphore_mem>>) src(%dma_wait3A_114 : memref<64xi32, #tpu.memory_space<hbm>>) dst(%dma_wait3A_112 : memref<64xi32, #tpu.memory_space<vmem>>)
        %dma_wait3A_115 = arith.constant 3 : i32
        %dma_wait3A_116 = arith.constant 3 : i32
        %dma_wait3A_117 = arith.constant 0 : i32
        %dma_wait3A_118 = arith.constant 0 : i32
        %dma_wait3A_119 = tpu.memref_slice %arg6[%dma_wait3A_115, %dma_wait3A_117, %dma_wait3A_118] : memref<4x64x128xf32, #tpu.memory_space<vmem>> -> memref<1x64x128xf32, #tpu.memory_space<vmem>>
        %dma_wait3A_120 = tpu.memref_squeeze %dma_wait3A_119 : memref<1x64x128xf32, #tpu.memory_space<vmem>> -> memref<64x128xf32, #tpu.memory_space<vmem>>
        %dma_wait3A_121 = arith.constant 0 : i32
        %dma_wait3A_122 = tpu.memref_slice %arg2[%mul3A_100, %dma_wait3A_121] : memref<320000x128xf32, #tpu.memory_space<hbm>> -> memref<64x128xf32, #tpu.memory_space<hbm>>
        %dma_wait3A_123 = tpu.memref_slice %arg9[%dma_wait3A_116] : memref<4x!tpu.dma_semaphore, #tpu.memory_space<semaphore_mem>> -> memref<1x!tpu.dma_semaphore, #tpu.memory_space<semaphore_mem>>
        %dma_wait3A_124 = tpu.memref_squeeze %dma_wait3A_123 : memref<1x!tpu.dma_semaphore, #tpu.memory_space<semaphore_mem>> -> memref<!tpu.dma_semaphore, #tpu.memory_space<semaphore_mem>>
        %dma_wait3A_125 = arith.constant 0 : i32
        %dma_wait3A_126 = arith.constant 0 : i32
        %dma_wait3A_127 = tpu.memref_slice %arg6[%dma_wait3A_115, %dma_wait3A_125, %dma_wait3A_126] : memref<4x64x128xf32, #tpu.memory_space<vmem>> -> memref<1x64x128xf32, #tpu.memory_space<vmem>>
        %dma_wait3A_128 = tpu.memref_squeeze %dma_wait3A_127 : memref<1x64x128xf32, #tpu.memory_space<vmem>> -> memref<64x128xf32, #tpu.memory_space<vmem>>
        %dma_wait3A_129 = arith.constant 0 : i32
        %dma_wait3A_130 = tpu.memref_slice %arg2[%mul3A_100, %dma_wait3A_129] : memref<320000x128xf32, #tpu.memory_space<hbm>> -> memref<64x128xf32, #tpu.memory_space<hbm>>
        tpu.wait_dma2 semaphore(%dma_wait3A_124 : memref<!tpu.dma_semaphore, #tpu.memory_space<semaphore_mem>>) src(%dma_wait3A_130 : memref<64x128xf32, #tpu.memory_space<hbm>>) dst(%dma_wait3A_128 : memref<64x128xf32, #tpu.memory_space<vmem>>)
        %run_scoped3A = arith.constant 3 : i32
        %run_scoped3A_131 = arith.constant 3 : i32
        "tpu.region"() ({
          %run_scoped3A_138 = tpu.sem_alloc : memref<!tpu.dma_semaphore, #tpu.memory_space<semaphore_mem>>
          %dma_start3A = arith.constant 0 : i32
          %dma_start3A_139 = arith.constant 0 : i32
          %dma_start3A_140 = tpu.memref_slice %arg6[%run_scoped3A, %dma_start3A, %dma_start3A_139] : memref<4x64x128xf32, #tpu.memory_space<vmem>> -> memref<1x64x128xf32, #tpu.memory_space<vmem>>
          %dma_start3A_141 = tpu.memref_squeeze %dma_start3A_140 : memref<1x64x128xf32, #tpu.memory_space<vmem>> -> memref<64x128xf32, #tpu.memory_space<vmem>>
          %dma_start3A_142 = arith.constant 0 : i32
          %dma_start3A_143 = tpu.memref_slice %arg7[%run_scoped3A_131, %dma_start3A_142] : memref<4x64xi32, #tpu.memory_space<vmem>> -> memref<1x64xi32, #tpu.memory_space<vmem>>
          %dma_start3A_144 = tpu.memref_squeeze %dma_start3A_143 : memref<1x64xi32, #tpu.memory_space<vmem>> -> memref<64xi32, #tpu.memory_space<vmem>>
          %dma_start3A_145 = arith.constant 0 : i32
          %dma_start3A_146 = arith.constant 0 : i32
          %dma_start3A_147 = tpu.memref_slice %arg5[%dma_start3A_145, %dma_start3A_146] : memref<10240x128xf32, #tpu.memory_space<vmem_shared>> -> memref<10240x128xf32, #tpu.memory_space<vmem_shared>>
          tpu.enqueue_indirect_dma source(%dma_start3A_141 : memref<64x128xf32, #tpu.memory_space<vmem>>) target(%dma_start3A_147 : memref<10240x128xf32, #tpu.memory_space<vmem_shared>>) offsets(%dma_start3A_144 : memref<64xi32, #tpu.memory_space<vmem>>) semaphore(%run_scoped3A_138 : memref<!tpu.dma_semaphore, #tpu.memory_space<semaphore_mem>>) {add = true}
          %dma_wait3A_148 = arith.constant 0 : i32
          %dma_wait3A_149 = arith.constant 0 : i32
          %dma_wait3A_150 = tpu.memref_slice %arg6[%run_scoped3A, %dma_wait3A_148, %dma_wait3A_149] : memref<4x64x128xf32, #tpu.memory_space<vmem>> -> memref<1x64x128xf32, #tpu.memory_space<vmem>>
          %dma_wait3A_151 = tpu.memref_squeeze %dma_wait3A_150 : memref<1x64x128xf32, #tpu.memory_space<vmem>> -> memref<64x128xf32, #tpu.memory_space<vmem>>
          %dma_wait3A_152 = arith.constant 0 : i32
          %dma_wait3A_153 = tpu.memref_slice %arg7[%run_scoped3A_131, %dma_wait3A_152] : memref<4x64xi32, #tpu.memory_space<vmem>> -> memref<1x64xi32, #tpu.memory_space<vmem>>
          %dma_wait3A_154 = tpu.memref_squeeze %dma_wait3A_153 : memref<1x64xi32, #tpu.memory_space<vmem>> -> memref<64xi32, #tpu.memory_space<vmem>>
          %dma_wait3A_155 = arith.constant 0 : i32
          %dma_wait3A_156 = arith.constant 0 : i32
          %dma_wait3A_157 = tpu.memref_slice %arg5[%dma_wait3A_155, %dma_wait3A_156] : memref<10240x128xf32, #tpu.memory_space<vmem_shared>> -> memref<10240x128xf32, #tpu.memory_space<vmem_shared>>
          tpu.wait_indirect_dma semaphore(%run_scoped3A_138 : memref<!tpu.dma_semaphore, #tpu.memory_space<semaphore_mem>>) src(%dma_wait3A_151 : memref<64x128xf32, #tpu.memory_space<vmem>>) dst(%dma_wait3A_157 : memref<10240x128xf32, #tpu.memory_space<vmem_shared>>)
          tpu.yield
        }) : () -> ()
        %add3A_132 = arith.constant 4 : i32
        %add3A_133 = arith.addi %add3A_93, %add3A_132 : i32
        %lt3A_134 = arith.cmpi slt, %add3A_133, %add3A_8 : i32
        %convert_element_type3A_135 = arith.extui %lt3A_134 : i1 to i32
        %cond3A_136 = arith.constant 0 : i32
        %cond3A_137 = arith.cmpi ne, %convert_element_type3A_135, %cond3A_136 : i32
        scf.if %cond3A_137 {
          %add3A_138 = arith.constant 4 : i32
          %add3A_139 = arith.addi %add3A_93, %add3A_138 : i32
          %add3A_140 = arith.addi %add3A_4, %add3A_139 : i32
          %mul3A_141 = arith.constant 64 : i32
          %mul3A_142 = arith.muli %add3A_140, %mul3A_141 : i32
          %dma_start3A = arith.constant 1 : i32
          %dma_start3A_143 = arith.constant 3 : i32
          %dma_start3A_144 = arith.constant 3 : i32
          %dma_start3A_145 = arith.constant 0 : i32
          %dma_start3A_146 = tpu.memref_slice %arg7[%dma_start3A_143, %dma_start3A_145] : memref<4x64xi32, #tpu.memory_space<vmem>> -> memref<1x64xi32, #tpu.memory_space<vmem>>
          %dma_start3A_147 = tpu.memref_squeeze %dma_start3A_146 : memref<1x64xi32, #tpu.memory_space<vmem>> -> memref<64xi32, #tpu.memory_space<vmem>>
          %dma_start3A_148 = tpu.memref_slice %arg3[%dma_start3A, %mul3A_142] : memref<2x320000xi32, #tpu.memory_space<hbm>> -> memref<1x64xi32, #tpu.memory_space<hbm>>
          %dma_start3A_149 = tpu.memref_squeeze %dma_start3A_148 : memref<1x64xi32, #tpu.memory_space<hbm>> -> memref<64xi32, #tpu.memory_space<hbm>>
          %dma_start3A_150 = tpu.memref_slice %arg10[%dma_start3A_144] : memref<4x!tpu.dma_semaphore, #tpu.memory_space<semaphore_mem>> -> memref<1x!tpu.dma_semaphore, #tpu.memory_space<semaphore_mem>>
          %dma_start3A_151 = tpu.memref_squeeze %dma_start3A_150 : memref<1x!tpu.dma_semaphore, #tpu.memory_space<semaphore_mem>> -> memref<!tpu.dma_semaphore, #tpu.memory_space<semaphore_mem>>
          %dma_start3A_152 = arith.constant 0 : i32
          %dma_start3A_153 = tpu.memref_slice %arg7[%dma_start3A_143, %dma_start3A_152] : memref<4x64xi32, #tpu.memory_space<vmem>> -> memref<1x64xi32, #tpu.memory_space<vmem>>
          %dma_start3A_154 = tpu.memref_squeeze %dma_start3A_153 : memref<1x64xi32, #tpu.memory_space<vmem>> -> memref<64xi32, #tpu.memory_space<vmem>>
          %dma_start3A_155 = tpu.memref_slice %arg3[%dma_start3A, %mul3A_142] : memref<2x320000xi32, #tpu.memory_space<hbm>> -> memref<1x64xi32, #tpu.memory_space<hbm>>
          %dma_start3A_156 = tpu.memref_squeeze %dma_start3A_155 : memref<1x64xi32, #tpu.memory_space<hbm>> -> memref<64xi32, #tpu.memory_space<hbm>>
          tpu.enqueue_dma source(%dma_start3A_156 : memref<64xi32, #tpu.memory_space<hbm>>) target(%dma_start3A_154 : memref<64xi32, #tpu.memory_space<vmem>>) target_semaphore(%dma_start3A_151 : memref<!tpu.dma_semaphore, #tpu.memory_space<semaphore_mem>>)
          %dma_start3A_157 = arith.constant 3 : i32
          %dma_start3A_158 = arith.constant 3 : i32
          %dma_start3A_159 = arith.constant 0 : i32
          %dma_start3A_160 = arith.constant 0 : i32
          %dma_start3A_161 = tpu.memref_slice %arg6[%dma_start3A_157, %dma_start3A_159, %dma_start3A_160] : memref<4x64x128xf32, #tpu.memory_space<vmem>> -> memref<1x64x128xf32, #tpu.memory_space<vmem>>
          %dma_start3A_162 = tpu.memref_squeeze %dma_start3A_161 : memref<1x64x128xf32, #tpu.memory_space<vmem>> -> memref<64x128xf32, #tpu.memory_space<vmem>>
          %dma_start3A_163 = arith.constant 0 : i32
          %dma_start3A_164 = tpu.memref_slice %arg2[%mul3A_142, %dma_start3A_163] : memref<320000x128xf32, #tpu.memory_space<hbm>> -> memref<64x128xf32, #tpu.memory_space<hbm>>
          %dma_start3A_165 = tpu.memref_slice %arg9[%dma_start3A_158] : memref<4x!tpu.dma_semaphore, #tpu.memory_space<semaphore_mem>> -> memref<1x!tpu.dma_semaphore, #tpu.memory_space<semaphore_mem>>
          %dma_start3A_166 = tpu.memref_squeeze %dma_start3A_165 : memref<1x!tpu.dma_semaphore, #tpu.memory_space<semaphore_mem>> -> memref<!tpu.dma_semaphore, #tpu.memory_space<semaphore_mem>>
          %dma_start3A_167 = arith.constant 0 : i32
          %dma_start3A_168 = arith.constant 0 : i32
          %dma_start3A_169 = tpu.memref_slice %arg6[%dma_start3A_157, %dma_start3A_167, %dma_start3A_168] : memref<4x64x128xf32, #tpu.memory_space<vmem>> -> memref<1x64x128xf32, #tpu.memory_space<vmem>>
          %dma_start3A_170 = tpu.memref_squeeze %dma_start3A_169 : memref<1x64x128xf32, #tpu.memory_space<vmem>> -> memref<64x128xf32, #tpu.memory_space<vmem>>
          %dma_start3A_171 = arith.constant 0 : i32
          %dma_start3A_172 = tpu.memref_slice %arg2[%mul3A_142, %dma_start3A_171] : memref<320000x128xf32, #tpu.memory_space<hbm>> -> memref<64x128xf32, #tpu.memory_space<hbm>>
          tpu.enqueue_dma source(%dma_start3A_172 : memref<64x128xf32, #tpu.memory_space<hbm>>) target(%dma_start3A_170 : memref<64x128xf32, #tpu.memory_space<vmem>>) target_semaphore(%dma_start3A_166 : memref<!tpu.dma_semaphore, #tpu.memory_space<semaphore_mem>>)
        } else {
        }
      } else {
      }
    }
    %while3A_65 = arith.constant 1 : i32
    scf.for %while3A_71 = %while3A_63 to %while3A_59 step %while3A_65  : i32 {
      %mul3A_72 = arith.constant 4 : i32
      %mul3A_73 = arith.muli %mul3A_72, %while3A_71 : i32
      %add3A_74 = arith.constant 0 : i32
      %add3A_75 = arith.addi %mul3A_73, %add3A_74 : i32
      %lt3A_76 = arith.cmpi slt, %add3A_75, %add3A_8 : i32
      %convert_element_type3A_77 = arith.extui %lt3A_76 : i1 to i32
      %cond3A_78 = arith.constant 0 : i32
      %cond3A_79 = arith.cmpi ne, %convert_element_type3A_77, %cond3A_78 : i32
      scf.if %cond3A_79 {
        %add3A_98 = arith.addi %add3A_4, %add3A_75 : i32
        %mul3A_99 = arith.constant 64 : i32
        %mul3A_100 = arith.muli %add3A_98, %mul3A_99 : i32
        %dma_wait3A = arith.constant 1 : i32
        %dma_wait3A_101 = arith.constant 0 : i32
        %dma_wait3A_102 = arith.constant 0 : i32
        %dma_wait3A_103 = arith.constant 0 : i32
        %dma_wait3A_104 = tpu.memref_slice %arg7[%dma_wait3A_101, %dma_wait3A_103] : memref<4x64xi32, #tpu.memory_space<vmem>> -> memref<1x64xi32, #tpu.memory_space<vmem>>
        %dma_wait3A_105 = tpu.memref_squeeze %dma_wait3A_104 : memref<1x64xi32, #tpu.memory_space<vmem>> -> memref<64xi32, #tpu.memory_space<vmem>>
        %dma_wait3A_106 = tpu.memref_slice %arg3[%dma_wait3A, %mul3A_100] : memref<2x320000xi32, #tpu.memory_space<hbm>> -> memref<1x64xi32, #tpu.memory_space<hbm>>
        %dma_wait3A_107 = tpu.memref_squeeze %dma_wait3A_106 : memref<1x64xi32, #tpu.memory_space<hbm>> -> memref<64xi32, #tpu.memory_space<hbm>>
        %dma_wait3A_108 = tpu.memref_slice %arg10[%dma_wait3A_102] : memref<4x!tpu.dma_semaphore, #tpu.memory_space<semaphore_mem>> -> memref<1x!tpu.dma_semaphore, #tpu.memory_space<semaphore_mem>>
        %dma_wait3A_109 = tpu.memref_squeeze %dma_wait3A_108 : memref<1x!tpu.dma_semaphore, #tpu.memory_space<semaphore_mem>> -> memref<!tpu.dma_semaphore, #tpu.memory_space<semaphore_mem>>
        %dma_wait3A_110 = arith.constant 0 : i32
        %dma_wait3A_111 = tpu.memref_slice %arg7[%dma_wait3A_101, %dma_wait3A_110] : memref<4x64xi32, #tpu.memory_space<vmem>> -> memref<1x64xi32, #tpu.memory_space<vmem>>
        %dma_wait3A_112 = tpu.memref_squeeze %dma_wait3A_111 : memref<1x64xi32, #tpu.memory_space<vmem>> -> memref<64xi32, #tpu.memory_space<vmem>>
        %dma_wait3A_113 = tpu.memref_slice %arg3[%dma_wait3A, %mul3A_100] : memref<2x320000xi32, #tpu.memory_space<hbm>> -> memref<1x64xi32, #tpu.memory_space<hbm>>
        %dma_wait3A_114 = tpu.memref_squeeze %dma_wait3A_113 : memref<1x64xi32, #tpu.memory_space<hbm>> -> memref<64xi32, #tpu.memory_space<hbm>>
        tpu.wait_dma2 semaphore(%dma_wait3A_109 : memref<!tpu.dma_semaphore, #tpu.memory_space<semaphore_mem>>) src(%dma_wait3A_114 : memref<64xi32, #tpu.memory_space<hbm>>) dst(%dma_wait3A_112 : memref<64xi32, #tpu.memory_space<vmem>>)
        %dma_wait3A_115 = arith.constant 0 : i32
        %dma_wait3A_116 = arith.constant 0 : i32
        %dma_wait3A_117 = arith.constant 0 : i32
        %dma_wait3A_118 = arith.constant 0 : i32
        %dma_wait3A_119 = tpu.memref_slice %arg6[%dma_wait3A_115, %dma_wait3A_117, %dma_wait3A_118] : memref<4x64x128xf32, #tpu.memory_space<vmem>> -> memref<1x64x128xf32, #tpu.memory_space<vmem>>
        %dma_wait3A_120 = tpu.memref_squeeze %dma_wait3A_119 : memref<1x64x128xf32, #tpu.memory_space<vmem>> -> memref<64x128xf32, #tpu.memory_space<vmem>>
        %dma_wait3A_121 = arith.constant 0 : i32
        %dma_wait3A_122 = tpu.memref_slice %arg2[%mul3A_100, %dma_wait3A_121] : memref<320000x128xf32, #tpu.memory_space<hbm>> -> memref<64x128xf32, #tpu.memory_space<hbm>>
        %dma_wait3A_123 = tpu.memref_slice %arg9[%dma_wait3A_116] : memref<4x!tpu.dma_semaphore, #tpu.memory_space<semaphore_mem>> -> memref<1x!tpu.dma_semaphore, #tpu.memory_space<semaphore_mem>>
        %dma_wait3A_124 = tpu.memref_squeeze %dma_wait3A_123 : memref<1x!tpu.dma_semaphore, #tpu.memory_space<semaphore_mem>> -> memref<!tpu.dma_semaphore, #tpu.memory_space<semaphore_mem>>
        %dma_wait3A_125 = arith.constant 0 : i32
        %dma_wait3A_126 = arith.constant 0 : i32
        %dma_wait3A_127 = tpu.memref_slice %arg6[%dma_wait3A_115, %dma_wait3A_125, %dma_wait3A_126] : memref<4x64x128xf32, #tpu.memory_space<vmem>> -> memref<1x64x128xf32, #tpu.memory_space<vmem>>
        %dma_wait3A_128 = tpu.memref_squeeze %dma_wait3A_127 : memref<1x64x128xf32, #tpu.memory_space<vmem>> -> memref<64x128xf32, #tpu.memory_space<vmem>>
        %dma_wait3A_129 = arith.constant 0 : i32
        %dma_wait3A_130 = tpu.memref_slice %arg2[%mul3A_100, %dma_wait3A_129] : memref<320000x128xf32, #tpu.memory_space<hbm>> -> memref<64x128xf32, #tpu.memory_space<hbm>>
        tpu.wait_dma2 semaphore(%dma_wait3A_124 : memref<!tpu.dma_semaphore, #tpu.memory_space<semaphore_mem>>) src(%dma_wait3A_130 : memref<64x128xf32, #tpu.memory_space<hbm>>) dst(%dma_wait3A_128 : memref<64x128xf32, #tpu.memory_space<vmem>>)
        %run_scoped3A = arith.constant 0 : i32
        %run_scoped3A_131 = arith.constant 0 : i32
        "tpu.region"() ({
          %run_scoped3A_138 = tpu.sem_alloc : memref<!tpu.dma_semaphore, #tpu.memory_space<semaphore_mem>>
          %dma_start3A = arith.constant 0 : i32
          %dma_start3A_139 = arith.constant 0 : i32
          %dma_start3A_140 = tpu.memref_slice %arg6[%run_scoped3A, %dma_start3A, %dma_start3A_139] : memref<4x64x128xf32, #tpu.memory_space<vmem>> -> memref<1x64x128xf32, #tpu.memory_space<vmem>>
          %dma_start3A_141 = tpu.memref_squeeze %dma_start3A_140 : memref<1x64x128xf32, #tpu.memory_space<vmem>> -> memref<64x128xf32, #tpu.memory_space<vmem>>
          %dma_start3A_142 = arith.constant 0 : i32
          %dma_start3A_143 = tpu.memref_slice %arg7[%run_scoped3A_131, %dma_start3A_142] : memref<4x64xi32, #tpu.memory_space<vmem>> -> memref<1x64xi32, #tpu.memory_space<vmem>>
          %dma_start3A_144 = tpu.memref_squeeze %dma_start3A_143 : memref<1x64xi32, #tpu.memory_space<vmem>> -> memref<64xi32, #tpu.memory_space<vmem>>
          %dma_start3A_145 = arith.constant 0 : i32
          %dma_start3A_146 = arith.constant 0 : i32
          %dma_start3A_147 = tpu.memref_slice %arg5[%dma_start3A_145, %dma_start3A_146] : memref<10240x128xf32, #tpu.memory_space<vmem_shared>> -> memref<10240x128xf32, #tpu.memory_space<vmem_shared>>
          tpu.enqueue_indirect_dma source(%dma_start3A_141 : memref<64x128xf32, #tpu.memory_space<vmem>>) target(%dma_start3A_147 : memref<10240x128xf32, #tpu.memory_space<vmem_shared>>) offsets(%dma_start3A_144 : memref<64xi32, #tpu.memory_space<vmem>>) semaphore(%run_scoped3A_138 : memref<!tpu.dma_semaphore, #tpu.memory_space<semaphore_mem>>) {add = true}
          %dma_wait3A_148 = arith.constant 0 : i32
          %dma_wait3A_149 = arith.constant 0 : i32
          %dma_wait3A_150 = tpu.memref_slice %arg6[%run_scoped3A, %dma_wait3A_148, %dma_wait3A_149] : memref<4x64x128xf32, #tpu.memory_space<vmem>> -> memref<1x64x128xf32, #tpu.memory_space<vmem>>
          %dma_wait3A_151 = tpu.memref_squeeze %dma_wait3A_150 : memref<1x64x128xf32, #tpu.memory_space<vmem>> -> memref<64x128xf32, #tpu.memory_space<vmem>>
          %dma_wait3A_152 = arith.constant 0 : i32
          %dma_wait3A_153 = tpu.memref_slice %arg7[%run_scoped3A_131, %dma_wait3A_152] : memref<4x64xi32, #tpu.memory_space<vmem>> -> memref<1x64xi32, #tpu.memory_space<vmem>>
          %dma_wait3A_154 = tpu.memref_squeeze %dma_wait3A_153 : memref<1x64xi32, #tpu.memory_space<vmem>> -> memref<64xi32, #tpu.memory_space<vmem>>
          %dma_wait3A_155 = arith.constant 0 : i32
          %dma_wait3A_156 = arith.constant 0 : i32
          %dma_wait3A_157 = tpu.memref_slice %arg5[%dma_wait3A_155, %dma_wait3A_156] : memref<10240x128xf32, #tpu.memory_space<vmem_shared>> -> memref<10240x128xf32, #tpu.memory_space<vmem_shared>>
          tpu.wait_indirect_dma semaphore(%run_scoped3A_138 : memref<!tpu.dma_semaphore, #tpu.memory_space<semaphore_mem>>) src(%dma_wait3A_151 : memref<64x128xf32, #tpu.memory_space<vmem>>) dst(%dma_wait3A_157 : memref<10240x128xf32, #tpu.memory_space<vmem_shared>>)
          tpu.yield
        }) : () -> ()
        %add3A_132 = arith.constant 4 : i32
        %add3A_133 = arith.addi %add3A_75, %add3A_132 : i32
        %lt3A_134 = arith.cmpi slt, %add3A_133, %add3A_8 : i32
        %convert_element_type3A_135 = arith.extui %lt3A_134 : i1 to i32
        %cond3A_136 = arith.constant 0 : i32
        %cond3A_137 = arith.cmpi ne, %convert_element_type3A_135, %cond3A_136 : i32
        scf.if %cond3A_137 {
          %add3A_138 = arith.constant 4 : i32
          %add3A_139 = arith.addi %add3A_75, %add3A_138 : i32
          %add3A_140 = arith.addi %add3A_4, %add3A_139 : i32
          %mul3A_141 = arith.constant 64 : i32
          %mul3A_142 = arith.muli %add3A_140, %mul3A_141 : i32
          %dma_start3A = arith.constant 1 : i32
          %dma_start3A_143 = arith.constant 0 : i32
          %dma_start3A_144 = arith.constant 0 : i32
          %dma_start3A_145 = arith.constant 0 : i32
          %dma_start3A_146 = tpu.memref_slice %arg7[%dma_start3A_143, %dma_start3A_145] : memref<4x64xi32, #tpu.memory_space<vmem>> -> memref<1x64xi32, #tpu.memory_space<vmem>>
          %dma_start3A_147 = tpu.memref_squeeze %dma_start3A_146 : memref<1x64xi32, #tpu.memory_space<vmem>> -> memref<64xi32, #tpu.memory_space<vmem>>
          %dma_start3A_148 = tpu.memref_slice %arg3[%dma_start3A, %mul3A_142] : memref<2x320000xi32, #tpu.memory_space<hbm>> -> memref<1x64xi32, #tpu.memory_space<hbm>>
          %dma_start3A_149 = tpu.memref_squeeze %dma_start3A_148 : memref<1x64xi32, #tpu.memory_space<hbm>> -> memref<64xi32, #tpu.memory_space<hbm>>
          %dma_start3A_150 = tpu.memref_slice %arg10[%dma_start3A_144] : memref<4x!tpu.dma_semaphore, #tpu.memory_space<semaphore_mem>> -> memref<1x!tpu.dma_semaphore, #tpu.memory_space<semaphore_mem>>
          %dma_start3A_151 = tpu.memref_squeeze %dma_start3A_150 : memref<1x!tpu.dma_semaphore, #tpu.memory_space<semaphore_mem>> -> memref<!tpu.dma_semaphore, #tpu.memory_space<semaphore_mem>>
          %dma_start3A_152 = arith.constant 0 : i32
          %dma_start3A_153 = tpu.memref_slice %arg7[%dma_start3A_143, %dma_start3A_152] : memref<4x64xi32, #tpu.memory_space<vmem>> -> memref<1x64xi32, #tpu.memory_space<vmem>>
          %dma_start3A_154 = tpu.memref_squeeze %dma_start3A_153 : memref<1x64xi32, #tpu.memory_space<vmem>> -> memref<64xi32, #tpu.memory_space<vmem>>
          %dma_start3A_155 = tpu.memref_slice %arg3[%dma_start3A, %mul3A_142] : memref<2x320000xi32, #tpu.memory_space<hbm>> -> memref<1x64xi32, #tpu.memory_space<hbm>>
          %dma_start3A_156 = tpu.memref_squeeze %dma_start3A_155 : memref<1x64xi32, #tpu.memory_space<hbm>> -> memref<64xi32, #tpu.memory_space<hbm>>
          tpu.enqueue_dma source(%dma_start3A_156 : memref<64xi32, #tpu.memory_space<hbm>>) target(%dma_start3A_154 : memref<64xi32, #tpu.memory_space<vmem>>) target_semaphore(%dma_start3A_151 : memref<!tpu.dma_semaphore, #tpu.memory_space<semaphore_mem>>)
          %dma_start3A_157 = arith.constant 0 : i32
          %dma_start3A_158 = arith.constant 0 : i32
          %dma_start3A_159 = arith.constant 0 : i32
          %dma_start3A_160 = arith.constant 0 : i32
          %dma_start3A_161 = tpu.memref_slice %arg6[%dma_start3A_157, %dma_start3A_159, %dma_start3A_160] : memref<4x64x128xf32, #tpu.memory_space<vmem>> -> memref<1x64x128xf32, #tpu.memory_space<vmem>>
          %dma_start3A_162 = tpu.memref_squeeze %dma_start3A_161 : memref<1x64x128xf32, #tpu.memory_space<vmem>> -> memref<64x128xf32, #tpu.memory_space<vmem>>
          %dma_start3A_163 = arith.constant 0 : i32
          %dma_start3A_164 = tpu.memref_slice %arg2[%mul3A_142, %dma_start3A_163] : memref<320000x128xf32, #tpu.memory_space<hbm>> -> memref<64x128xf32, #tpu.memory_space<hbm>>
          %dma_start3A_165 = tpu.memref_slice %arg9[%dma_start3A_158] : memref<4x!tpu.dma_semaphore, #tpu.memory_space<semaphore_mem>> -> memref<1x!tpu.dma_semaphore, #tpu.memory_space<semaphore_mem>>
          %dma_start3A_166 = tpu.memref_squeeze %dma_start3A_165 : memref<1x!tpu.dma_semaphore, #tpu.memory_space<semaphore_mem>> -> memref<!tpu.dma_semaphore, #tpu.memory_space<semaphore_mem>>
          %dma_start3A_167 = arith.constant 0 : i32
          %dma_start3A_168 = arith.constant 0 : i32
          %dma_start3A_169 = tpu.memref_slice %arg6[%dma_start3A_157, %dma_start3A_167, %dma_start3A_168] : memref<4x64x128xf32, #tpu.memory_space<vmem>> -> memref<1x64x128xf32, #tpu.memory_space<vmem>>
          %dma_start3A_170 = tpu.memref_squeeze %dma_start3A_169 : memref<1x64x128xf32, #tpu.memory_space<vmem>> -> memref<64x128xf32, #tpu.memory_space<vmem>>
          %dma_start3A_171 = arith.constant 0 : i32
          %dma_start3A_172 = tpu.memref_slice %arg2[%mul3A_142, %dma_start3A_171] : memref<320000x128xf32, #tpu.memory_space<hbm>> -> memref<64x128xf32, #tpu.memory_space<hbm>>
          tpu.enqueue_dma source(%dma_start3A_172 : memref<64x128xf32, #tpu.memory_space<hbm>>) target(%dma_start3A_170 : memref<64x128xf32, #tpu.memory_space<vmem>>) target_semaphore(%dma_start3A_166 : memref<!tpu.dma_semaphore, #tpu.memory_space<semaphore_mem>>)
        } else {
        }
      } else {
      }
      %add3A_80 = arith.constant 1 : i32
      %add3A_81 = arith.addi %mul3A_73, %add3A_80 : i32
      %lt3A_82 = arith.cmpi slt, %add3A_81, %add3A_8 : i32
      %convert_element_type3A_83 = arith.extui %lt3A_82 : i1 to i32
      %cond3A_84 = arith.constant 0 : i32
      %cond3A_85 = arith.cmpi ne, %convert_element_type3A_83, %cond3A_84 : i32
      scf.if %cond3A_85 {
        %add3A_98 = arith.addi %add3A_4, %add3A_81 : i32
        %mul3A_99 = arith.constant 64 : i32
        %mul3A_100 = arith.muli %add3A_98, %mul3A_99 : i32
        %dma_wait3A = arith.constant 1 : i32
        %dma_wait3A_101 = arith.constant 1 : i32
        %dma_wait3A_102 = arith.constant 1 : i32
        %dma_wait3A_103 = arith.constant 0 : i32
        %dma_wait3A_104 = tpu.memref_slice %arg7[%dma_wait3A_101, %dma_wait3A_103] : memref<4x64xi32, #tpu.memory_space<vmem>> -> memref<1x64xi32, #tpu.memory_space<vmem>>
        %dma_wait3A_105 = tpu.memref_squeeze %dma_wait3A_104 : memref<1x64xi32, #tpu.memory_space<vmem>> -> memref<64xi32, #tpu.memory_space<vmem>>
        %dma_wait3A_106 = tpu.memref_slice %arg3[%dma_wait3A, %mul3A_100] : memref<2x320000xi32, #tpu.memory_space<hbm>> -> memref<1x64xi32, #tpu.memory_space<hbm>>
        %dma_wait3A_107 = tpu.memref_squeeze %dma_wait3A_106 : memref<1x64xi32, #tpu.memory_space<hbm>> -> memref<64xi32, #tpu.memory_space<hbm>>
        %dma_wait3A_108 = tpu.memref_slice %arg10[%dma_wait3A_102] : memref<4x!tpu.dma_semaphore, #tpu.memory_space<semaphore_mem>> -> memref<1x!tpu.dma_semaphore, #tpu.memory_space<semaphore_mem>>
        %dma_wait3A_109 = tpu.memref_squeeze %dma_wait3A_108 : memref<1x!tpu.dma_semaphore, #tpu.memory_space<semaphore_mem>> -> memref<!tpu.dma_semaphore, #tpu.memory_space<semaphore_mem>>
        %dma_wait3A_110 = arith.constant 0 : i32
        %dma_wait3A_111 = tpu.memref_slice %arg7[%dma_wait3A_101, %dma_wait3A_110] : memref<4x64xi32, #tpu.memory_space<vmem>> -> memref<1x64xi32, #tpu.memory_space<vmem>>
        %dma_wait3A_112 = tpu.memref_squeeze %dma_wait3A_111 : memref<1x64xi32, #tpu.memory_space<vmem>> -> memref<64xi32, #tpu.memory_space<vmem>>
        %dma_wait3A_113 = tpu.memref_slice %arg3[%dma_wait3A, %mul3A_100] : memref<2x320000xi32, #tpu.memory_space<hbm>> -> memref<1x64xi32, #tpu.memory_space<hbm>>
        %dma_wait3A_114 = tpu.memref_squeeze %dma_wait3A_113 : memref<1x64xi32, #tpu.memory_space<hbm>> -> memref<64xi32, #tpu.memory_space<hbm>>
        tpu.wait_dma2 semaphore(%dma_wait3A_109 : memref<!tpu.dma_semaphore, #tpu.memory_space<semaphore_mem>>) src(%dma_wait3A_114 : memref<64xi32, #tpu.memory_space<hbm>>) dst(%dma_wait3A_112 : memref<64xi32, #tpu.memory_space<vmem>>)
        %dma_wait3A_115 = arith.constant 1 : i32
        %dma_wait3A_116 = arith.constant 1 : i32
        %dma_wait3A_117 = arith.constant 0 : i32
        %dma_wait3A_118 = arith.constant 0 : i32
        %dma_wait3A_119 = tpu.memref_slice %arg6[%dma_wait3A_115, %dma_wait3A_117, %dma_wait3A_118] : memref<4x64x128xf32, #tpu.memory_space<vmem>> -> memref<1x64x128xf32, #tpu.memory_space<vmem>>
        %dma_wait3A_120 = tpu.memref_squeeze %dma_wait3A_119 : memref<1x64x128xf32, #tpu.memory_space<vmem>> -> memref<64x128xf32, #tpu.memory_space<vmem>>
        %dma_wait3A_121 = arith.constant 0 : i32
        %dma_wait3A_122 = tpu.memref_slice %arg2[%mul3A_100, %dma_wait3A_121] : memref<320000x128xf32, #tpu.memory_space<hbm>> -> memref<64x128xf32, #tpu.memory_space<hbm>>
        %dma_wait3A_123 = tpu.memref_slice %arg9[%dma_wait3A_116] : memref<4x!tpu.dma_semaphore, #tpu.memory_space<semaphore_mem>> -> memref<1x!tpu.dma_semaphore, #tpu.memory_space<semaphore_mem>>
        %dma_wait3A_124 = tpu.memref_squeeze %dma_wait3A_123 : memref<1x!tpu.dma_semaphore, #tpu.memory_space<semaphore_mem>> -> memref<!tpu.dma_semaphore, #tpu.memory_space<semaphore_mem>>
        %dma_wait3A_125 = arith.constant 0 : i32
        %dma_wait3A_126 = arith.constant 0 : i32
        %dma_wait3A_127 = tpu.memref_slice %arg6[%dma_wait3A_115, %dma_wait3A_125, %dma_wait3A_126] : memref<4x64x128xf32, #tpu.memory_space<vmem>> -> memref<1x64x128xf32, #tpu.memory_space<vmem>>
        %dma_wait3A_128 = tpu.memref_squeeze %dma_wait3A_127 : memref<1x64x128xf32, #tpu.memory_space<vmem>> -> memref<64x128xf32, #tpu.memory_space<vmem>>
        %dma_wait3A_129 = arith.constant 0 : i32
        %dma_wait3A_130 = tpu.memref_slice %arg2[%mul3A_100, %dma_wait3A_129] : memref<320000x128xf32, #tpu.memory_space<hbm>> -> memref<64x128xf32, #tpu.memory_space<hbm>>
        tpu.wait_dma2 semaphore(%dma_wait3A_124 : memref<!tpu.dma_semaphore, #tpu.memory_space<semaphore_mem>>) src(%dma_wait3A_130 : memref<64x128xf32, #tpu.memory_space<hbm>>) dst(%dma_wait3A_128 : memref<64x128xf32, #tpu.memory_space<vmem>>)
        %run_scoped3A = arith.constant 1 : i32
        %run_scoped3A_131 = arith.constant 1 : i32
        "tpu.region"() ({
          %run_scoped3A_138 = tpu.sem_alloc : memref<!tpu.dma_semaphore, #tpu.memory_space<semaphore_mem>>
          %dma_start3A = arith.constant 0 : i32
          %dma_start3A_139 = arith.constant 0 : i32
          %dma_start3A_140 = tpu.memref_slice %arg6[%run_scoped3A, %dma_start3A, %dma_start3A_139] : memref<4x64x128xf32, #tpu.memory_space<vmem>> -> memref<1x64x128xf32, #tpu.memory_space<vmem>>
          %dma_start3A_141 = tpu.memref_squeeze %dma_start3A_140 : memref<1x64x128xf32, #tpu.memory_space<vmem>> -> memref<64x128xf32, #tpu.memory_space<vmem>>
          %dma_start3A_142 = arith.constant 0 : i32
          %dma_start3A_143 = tpu.memref_slice %arg7[%run_scoped3A_131, %dma_start3A_142] : memref<4x64xi32, #tpu.memory_space<vmem>> -> memref<1x64xi32, #tpu.memory_space<vmem>>
          %dma_start3A_144 = tpu.memref_squeeze %dma_start3A_143 : memref<1x64xi32, #tpu.memory_space<vmem>> -> memref<64xi32, #tpu.memory_space<vmem>>
          %dma_start3A_145 = arith.constant 0 : i32
          %dma_start3A_146 = arith.constant 0 : i32
          %dma_start3A_147 = tpu.memref_slice %arg5[%dma_start3A_145, %dma_start3A_146] : memref<10240x128xf32, #tpu.memory_space<vmem_shared>> -> memref<10240x128xf32, #tpu.memory_space<vmem_shared>>
          tpu.enqueue_indirect_dma source(%dma_start3A_141 : memref<64x128xf32, #tpu.memory_space<vmem>>) target(%dma_start3A_147 : memref<10240x128xf32, #tpu.memory_space<vmem_shared>>) offsets(%dma_start3A_144 : memref<64xi32, #tpu.memory_space<vmem>>) semaphore(%run_scoped3A_138 : memref<!tpu.dma_semaphore, #tpu.memory_space<semaphore_mem>>) {add = true}
          %dma_wait3A_148 = arith.constant 0 : i32
          %dma_wait3A_149 = arith.constant 0 : i32
          %dma_wait3A_150 = tpu.memref_slice %arg6[%run_scoped3A, %dma_wait3A_148, %dma_wait3A_149] : memref<4x64x128xf32, #tpu.memory_space<vmem>> -> memref<1x64x128xf32, #tpu.memory_space<vmem>>
          %dma_wait3A_151 = tpu.memref_squeeze %dma_wait3A_150 : memref<1x64x128xf32, #tpu.memory_space<vmem>> -> memref<64x128xf32, #tpu.memory_space<vmem>>
          %dma_wait3A_152 = arith.constant 0 : i32
          %dma_wait3A_153 = tpu.memref_slice %arg7[%run_scoped3A_131, %dma_wait3A_152] : memref<4x64xi32, #tpu.memory_space<vmem>> -> memref<1x64xi32, #tpu.memory_space<vmem>>
          %dma_wait3A_154 = tpu.memref_squeeze %dma_wait3A_153 : memref<1x64xi32, #tpu.memory_space<vmem>> -> memref<64xi32, #tpu.memory_space<vmem>>
          %dma_wait3A_155 = arith.constant 0 : i32
          %dma_wait3A_156 = arith.constant 0 : i32
          %dma_wait3A_157 = tpu.memref_slice %arg5[%dma_wait3A_155, %dma_wait3A_156] : memref<10240x128xf32, #tpu.memory_space<vmem_shared>> -> memref<10240x128xf32, #tpu.memory_space<vmem_shared>>
          tpu.wait_indirect_dma semaphore(%run_scoped3A_138 : memref<!tpu.dma_semaphore, #tpu.memory_space<semaphore_mem>>) src(%dma_wait3A_151 : memref<64x128xf32, #tpu.memory_space<vmem>>) dst(%dma_wait3A_157 : memref<10240x128xf32, #tpu.memory_space<vmem_shared>>)
          tpu.yield
        }) : () -> ()
        %add3A_132 = arith.constant 4 : i32
        %add3A_133 = arith.addi %add3A_81, %add3A_132 : i32
        %lt3A_134 = arith.cmpi slt, %add3A_133, %add3A_8 : i32
        %convert_element_type3A_135 = arith.extui %lt3A_134 : i1 to i32
        %cond3A_136 = arith.constant 0 : i32
        %cond3A_137 = arith.cmpi ne, %convert_element_type3A_135, %cond3A_136 : i32
        scf.if %cond3A_137 {
          %add3A_138 = arith.constant 4 : i32
          %add3A_139 = arith.addi %add3A_81, %add3A_138 : i32
          %add3A_140 = arith.addi %add3A_4, %add3A_139 : i32
          %mul3A_141 = arith.constant 64 : i32
          %mul3A_142 = arith.muli %add3A_140, %mul3A_141 : i32
          %dma_start3A = arith.constant 1 : i32
          %dma_start3A_143 = arith.constant 1 : i32
          %dma_start3A_144 = arith.constant 1 : i32
          %dma_start3A_145 = arith.constant 0 : i32
          %dma_start3A_146 = tpu.memref_slice %arg7[%dma_start3A_143, %dma_start3A_145] : memref<4x64xi32, #tpu.memory_space<vmem>> -> memref<1x64xi32, #tpu.memory_space<vmem>>
          %dma_start3A_147 = tpu.memref_squeeze %dma_start3A_146 : memref<1x64xi32, #tpu.memory_space<vmem>> -> memref<64xi32, #tpu.memory_space<vmem>>
          %dma_start3A_148 = tpu.memref_slice %arg3[%dma_start3A, %mul3A_142] : memref<2x320000xi32, #tpu.memory_space<hbm>> -> memref<1x64xi32, #tpu.memory_space<hbm>>
          %dma_start3A_149 = tpu.memref_squeeze %dma_start3A_148 : memref<1x64xi32, #tpu.memory_space<hbm>> -> memref<64xi32, #tpu.memory_space<hbm>>
          %dma_start3A_150 = tpu.memref_slice %arg10[%dma_start3A_144] : memref<4x!tpu.dma_semaphore, #tpu.memory_space<semaphore_mem>> -> memref<1x!tpu.dma_semaphore, #tpu.memory_space<semaphore_mem>>
          %dma_start3A_151 = tpu.memref_squeeze %dma_start3A_150 : memref<1x!tpu.dma_semaphore, #tpu.memory_space<semaphore_mem>> -> memref<!tpu.dma_semaphore, #tpu.memory_space<semaphore_mem>>
          %dma_start3A_152 = arith.constant 0 : i32
          %dma_start3A_153 = tpu.memref_slice %arg7[%dma_start3A_143, %dma_start3A_152] : memref<4x64xi32, #tpu.memory_space<vmem>> -> memref<1x64xi32, #tpu.memory_space<vmem>>
          %dma_start3A_154 = tpu.memref_squeeze %dma_start3A_153 : memref<1x64xi32, #tpu.memory_space<vmem>> -> memref<64xi32, #tpu.memory_space<vmem>>
          %dma_start3A_155 = tpu.memref_slice %arg3[%dma_start3A, %mul3A_142] : memref<2x320000xi32, #tpu.memory_space<hbm>> -> memref<1x64xi32, #tpu.memory_space<hbm>>
          %dma_start3A_156 = tpu.memref_squeeze %dma_start3A_155 : memref<1x64xi32, #tpu.memory_space<hbm>> -> memref<64xi32, #tpu.memory_space<hbm>>
          tpu.enqueue_dma source(%dma_start3A_156 : memref<64xi32, #tpu.memory_space<hbm>>) target(%dma_start3A_154 : memref<64xi32, #tpu.memory_space<vmem>>) target_semaphore(%dma_start3A_151 : memref<!tpu.dma_semaphore, #tpu.memory_space<semaphore_mem>>)
          %dma_start3A_157 = arith.constant 1 : i32
          %dma_start3A_158 = arith.constant 1 : i32
          %dma_start3A_159 = arith.constant 0 : i32
          %dma_start3A_160 = arith.constant 0 : i32
          %dma_start3A_161 = tpu.memref_slice %arg6[%dma_start3A_157, %dma_start3A_159, %dma_start3A_160] : memref<4x64x128xf32, #tpu.memory_space<vmem>> -> memref<1x64x128xf32, #tpu.memory_space<vmem>>
          %dma_start3A_162 = tpu.memref_squeeze %dma_start3A_161 : memref<1x64x128xf32, #tpu.memory_space<vmem>> -> memref<64x128xf32, #tpu.memory_space<vmem>>
          %dma_start3A_163 = arith.constant 0 : i32
          %dma_start3A_164 = tpu.memref_slice %arg2[%mul3A_142, %dma_start3A_163] : memref<320000x128xf32, #tpu.memory_space<hbm>> -> memref<64x128xf32, #tpu.memory_space<hbm>>
          %dma_start3A_165 = tpu.memref_slice %arg9[%dma_start3A_158] : memref<4x!tpu.dma_semaphore, #tpu.memory_space<semaphore_mem>> -> memref<1x!tpu.dma_semaphore, #tpu.memory_space<semaphore_mem>>
          %dma_start3A_166 = tpu.memref_squeeze %dma_start3A_165 : memref<1x!tpu.dma_semaphore, #tpu.memory_space<semaphore_mem>> -> memref<!tpu.dma_semaphore, #tpu.memory_space<semaphore_mem>>
          %dma_start3A_167 = arith.constant 0 : i32
          %dma_start3A_168 = arith.constant 0 : i32
          %dma_start3A_169 = tpu.memref_slice %arg6[%dma_start3A_157, %dma_start3A_167, %dma_start3A_168] : memref<4x64x128xf32, #tpu.memory_space<vmem>> -> memref<1x64x128xf32, #tpu.memory_space<vmem>>
          %dma_start3A_170 = tpu.memref_squeeze %dma_start3A_169 : memref<1x64x128xf32, #tpu.memory_space<vmem>> -> memref<64x128xf32, #tpu.memory_space<vmem>>
          %dma_start3A_171 = arith.constant 0 : i32
          %dma_start3A_172 = tpu.memref_slice %arg2[%mul3A_142, %dma_start3A_171] : memref<320000x128xf32, #tpu.memory_space<hbm>> -> memref<64x128xf32, #tpu.memory_space<hbm>>
          tpu.enqueue_dma source(%dma_start3A_172 : memref<64x128xf32, #tpu.memory_space<hbm>>) target(%dma_start3A_170 : memref<64x128xf32, #tpu.memory_space<vmem>>) target_semaphore(%dma_start3A_166 : memref<!tpu.dma_semaphore, #tpu.memory_space<semaphore_mem>>)
        } else {
        }
      } else {
      }
      %add3A_86 = arith.constant 2 : i32
      %add3A_87 = arith.addi %mul3A_73, %add3A_86 : i32
      %lt3A_88 = arith.cmpi slt, %add3A_87, %add3A_8 : i32
      %convert_element_type3A_89 = arith.extui %lt3A_88 : i1 to i32
      %cond3A_90 = arith.constant 0 : i32
      %cond3A_91 = arith.cmpi ne, %convert_element_type3A_89, %cond3A_90 : i32
      scf.if %cond3A_91 {
        %add3A_98 = arith.addi %add3A_4, %add3A_87 : i32
        %mul3A_99 = arith.constant 64 : i32
        %mul3A_100 = arith.muli %add3A_98, %mul3A_99 : i32
        %dma_wait3A = arith.constant 1 : i32
        %dma_wait3A_101 = arith.constant 2 : i32
        %dma_wait3A_102 = arith.constant 2 : i32
        %dma_wait3A_103 = arith.constant 0 : i32
        %dma_wait3A_104 = tpu.memref_slice %arg7[%dma_wait3A_101, %dma_wait3A_103] : memref<4x64xi32, #tpu.memory_space<vmem>> -> memref<1x64xi32, #tpu.memory_space<vmem>>
        %dma_wait3A_105 = tpu.memref_squeeze %dma_wait3A_104 : memref<1x64xi32, #tpu.memory_space<vmem>> -> memref<64xi32, #tpu.memory_space<vmem>>
        %dma_wait3A_106 = tpu.memref_slice %arg3[%dma_wait3A, %mul3A_100] : memref<2x320000xi32, #tpu.memory_space<hbm>> -> memref<1x64xi32, #tpu.memory_space<hbm>>
        %dma_wait3A_107 = tpu.memref_squeeze %dma_wait3A_106 : memref<1x64xi32, #tpu.memory_space<hbm>> -> memref<64xi32, #tpu.memory_space<hbm>>
        %dma_wait3A_108 = tpu.memref_slice %arg10[%dma_wait3A_102] : memref<4x!tpu.dma_semaphore, #tpu.memory_space<semaphore_mem>> -> memref<1x!tpu.dma_semaphore, #tpu.memory_space<semaphore_mem>>
        %dma_wait3A_109 = tpu.memref_squeeze %dma_wait3A_108 : memref<1x!tpu.dma_semaphore, #tpu.memory_space<semaphore_mem>> -> memref<!tpu.dma_semaphore, #tpu.memory_space<semaphore_mem>>
        %dma_wait3A_110 = arith.constant 0 : i32
        %dma_wait3A_111 = tpu.memref_slice %arg7[%dma_wait3A_101, %dma_wait3A_110] : memref<4x64xi32, #tpu.memory_space<vmem>> -> memref<1x64xi32, #tpu.memory_space<vmem>>
        %dma_wait3A_112 = tpu.memref_squeeze %dma_wait3A_111 : memref<1x64xi32, #tpu.memory_space<vmem>> -> memref<64xi32, #tpu.memory_space<vmem>>
        %dma_wait3A_113 = tpu.memref_slice %arg3[%dma_wait3A, %mul3A_100] : memref<2x320000xi32, #tpu.memory_space<hbm>> -> memref<1x64xi32, #tpu.memory_space<hbm>>
        %dma_wait3A_114 = tpu.memref_squeeze %dma_wait3A_113 : memref<1x64xi32, #tpu.memory_space<hbm>> -> memref<64xi32, #tpu.memory_space<hbm>>
        tpu.wait_dma2 semaphore(%dma_wait3A_109 : memref<!tpu.dma_semaphore, #tpu.memory_space<semaphore_mem>>) src(%dma_wait3A_114 : memref<64xi32, #tpu.memory_space<hbm>>) dst(%dma_wait3A_112 : memref<64xi32, #tpu.memory_space<vmem>>)
        %dma_wait3A_115 = arith.constant 2 : i32
        %dma_wait3A_116 = arith.constant 2 : i32
        %dma_wait3A_117 = arith.constant 0 : i32
        %dma_wait3A_118 = arith.constant 0 : i32
        %dma_wait3A_119 = tpu.memref_slice %arg6[%dma_wait3A_115, %dma_wait3A_117, %dma_wait3A_118] : memref<4x64x128xf32, #tpu.memory_space<vmem>> -> memref<1x64x128xf32, #tpu.memory_space<vmem>>
        %dma_wait3A_120 = tpu.memref_squeeze %dma_wait3A_119 : memref<1x64x128xf32, #tpu.memory_space<vmem>> -> memref<64x128xf32, #tpu.memory_space<vmem>>
        %dma_wait3A_121 = arith.constant 0 : i32
        %dma_wait3A_122 = tpu.memref_slice %arg2[%mul3A_100, %dma_wait3A_121] : memref<320000x128xf32, #tpu.memory_space<hbm>> -> memref<64x128xf32, #tpu.memory_space<hbm>>
        %dma_wait3A_123 = tpu.memref_slice %arg9[%dma_wait3A_116] : memref<4x!tpu.dma_semaphore, #tpu.memory_space<semaphore_mem>> -> memref<1x!tpu.dma_semaphore, #tpu.memory_space<semaphore_mem>>
        %dma_wait3A_124 = tpu.memref_squeeze %dma_wait3A_123 : memref<1x!tpu.dma_semaphore, #tpu.memory_space<semaphore_mem>> -> memref<!tpu.dma_semaphore, #tpu.memory_space<semaphore_mem>>
        %dma_wait3A_125 = arith.constant 0 : i32
        %dma_wait3A_126 = arith.constant 0 : i32
        %dma_wait3A_127 = tpu.memref_slice %arg6[%dma_wait3A_115, %dma_wait3A_125, %dma_wait3A_126] : memref<4x64x128xf32, #tpu.memory_space<vmem>> -> memref<1x64x128xf32, #tpu.memory_space<vmem>>
        %dma_wait3A_128 = tpu.memref_squeeze %dma_wait3A_127 : memref<1x64x128xf32, #tpu.memory_space<vmem>> -> memref<64x128xf32, #tpu.memory_space<vmem>>
        %dma_wait3A_129 = arith.constant 0 : i32
        %dma_wait3A_130 = tpu.memref_slice %arg2[%mul3A_100, %dma_wait3A_129] : memref<320000x128xf32, #tpu.memory_space<hbm>> -> memref<64x128xf32, #tpu.memory_space<hbm>>
        tpu.wait_dma2 semaphore(%dma_wait3A_124 : memref<!tpu.dma_semaphore, #tpu.memory_space<semaphore_mem>>) src(%dma_wait3A_130 : memref<64x128xf32, #tpu.memory_space<hbm>>) dst(%dma_wait3A_128 : memref<64x128xf32, #tpu.memory_space<vmem>>)
        %run_scoped3A = arith.constant 2 : i32
        %run_scoped3A_131 = arith.constant 2 : i32
        "tpu.region"() ({
          %run_scoped3A_138 = tpu.sem_alloc : memref<!tpu.dma_semaphore, #tpu.memory_space<semaphore_mem>>
          %dma_start3A = arith.constant 0 : i32
          %dma_start3A_139 = arith.constant 0 : i32
          %dma_start3A_140 = tpu.memref_slice %arg6[%run_scoped3A, %dma_start3A, %dma_start3A_139] : memref<4x64x128xf32, #tpu.memory_space<vmem>> -> memref<1x64x128xf32, #tpu.memory_space<vmem>>
          %dma_start3A_141 = tpu.memref_squeeze %dma_start3A_140 : memref<1x64x128xf32, #tpu.memory_space<vmem>> -> memref<64x128xf32, #tpu.memory_space<vmem>>
          %dma_start3A_142 = arith.constant 0 : i32
          %dma_start3A_143 = tpu.memref_slice %arg7[%run_scoped3A_131, %dma_start3A_142] : memref<4x64xi32, #tpu.memory_space<vmem>> -> memref<1x64xi32, #tpu.memory_space<vmem>>
          %dma_start3A_144 = tpu.memref_squeeze %dma_start3A_143 : memref<1x64xi32, #tpu.memory_space<vmem>> -> memref<64xi32, #tpu.memory_space<vmem>>
          %dma_start3A_145 = arith.constant 0 : i32
          %dma_start3A_146 = arith.constant 0 : i32
          %dma_start3A_147 = tpu.memref_slice %arg5[%dma_start3A_145, %dma_start3A_146] : memref<10240x128xf32, #tpu.memory_space<vmem_shared>> -> memref<10240x128xf32, #tpu.memory_space<vmem_shared>>
          tpu.enqueue_indirect_dma source(%dma_start3A_141 : memref<64x128xf32, #tpu.memory_space<vmem>>) target(%dma_start3A_147 : memref<10240x128xf32, #tpu.memory_space<vmem_shared>>) offsets(%dma_start3A_144 : memref<64xi32, #tpu.memory_space<vmem>>) semaphore(%run_scoped3A_138 : memref<!tpu.dma_semaphore, #tpu.memory_space<semaphore_mem>>) {add = true}
          %dma_wait3A_148 = arith.constant 0 : i32
          %dma_wait3A_149 = arith.constant 0 : i32
          %dma_wait3A_150 = tpu.memref_slice %arg6[%run_scoped3A, %dma_wait3A_148, %dma_wait3A_149] : memref<4x64x128xf32, #tpu.memory_space<vmem>> -> memref<1x64x128xf32, #tpu.memory_space<vmem>>
          %dma_wait3A_151 = tpu.memref_squeeze %dma_wait3A_150 : memref<1x64x128xf32, #tpu.memory_space<vmem>> -> memref<64x128xf32, #tpu.memory_space<vmem>>
          %dma_wait3A_152 = arith.constant 0 : i32
          %dma_wait3A_153 = tpu.memref_slice %arg7[%run_scoped3A_131, %dma_wait3A_152] : memref<4x64xi32, #tpu.memory_space<vmem>> -> memref<1x64xi32, #tpu.memory_space<vmem>>
          %dma_wait3A_154 = tpu.memref_squeeze %dma_wait3A_153 : memref<1x64xi32, #tpu.memory_space<vmem>> -> memref<64xi32, #tpu.memory_space<vmem>>
          %dma_wait3A_155 = arith.constant 0 : i32
          %dma_wait3A_156 = arith.constant 0 : i32
          %dma_wait3A_157 = tpu.memref_slice %arg5[%dma_wait3A_155, %dma_wait3A_156] : memref<10240x128xf32, #tpu.memory_space<vmem_shared>> -> memref<10240x128xf32, #tpu.memory_space<vmem_shared>>
          tpu.wait_indirect_dma semaphore(%run_scoped3A_138 : memref<!tpu.dma_semaphore, #tpu.memory_space<semaphore_mem>>) src(%dma_wait3A_151 : memref<64x128xf32, #tpu.memory_space<vmem>>) dst(%dma_wait3A_157 : memref<10240x128xf32, #tpu.memory_space<vmem_shared>>)
          tpu.yield
        }) : () -> ()
        %add3A_132 = arith.constant 4 : i32
        %add3A_133 = arith.addi %add3A_87, %add3A_132 : i32
        %lt3A_134 = arith.cmpi slt, %add3A_133, %add3A_8 : i32
        %convert_element_type3A_135 = arith.extui %lt3A_134 : i1 to i32
        %cond3A_136 = arith.constant 0 : i32
        %cond3A_137 = arith.cmpi ne, %convert_element_type3A_135, %cond3A_136 : i32
        scf.if %cond3A_137 {
          %add3A_138 = arith.constant 4 : i32
          %add3A_139 = arith.addi %add3A_87, %add3A_138 : i32
          %add3A_140 = arith.addi %add3A_4, %add3A_139 : i32
          %mul3A_141 = arith.constant 64 : i32
          %mul3A_142 = arith.muli %add3A_140, %mul3A_141 : i32
          %dma_start3A = arith.constant 1 : i32
          %dma_start3A_143 = arith.constant 2 : i32
          %dma_start3A_144 = arith.constant 2 : i32
          %dma_start3A_145 = arith.constant 0 : i32
          %dma_start3A_146 = tpu.memref_slice %arg7[%dma_start3A_143, %dma_start3A_145] : memref<4x64xi32, #tpu.memory_space<vmem>> -> memref<1x64xi32, #tpu.memory_space<vmem>>
          %dma_start3A_147 = tpu.memref_squeeze %dma_start3A_146 : memref<1x64xi32, #tpu.memory_space<vmem>> -> memref<64xi32, #tpu.memory_space<vmem>>
          %dma_start3A_148 = tpu.memref_slice %arg3[%dma_start3A, %mul3A_142] : memref<2x320000xi32, #tpu.memory_space<hbm>> -> memref<1x64xi32, #tpu.memory_space<hbm>>
          %dma_start3A_149 = tpu.memref_squeeze %dma_start3A_148 : memref<1x64xi32, #tpu.memory_space<hbm>> -> memref<64xi32, #tpu.memory_space<hbm>>
          %dma_start3A_150 = tpu.memref_slice %arg10[%dma_start3A_144] : memref<4x!tpu.dma_semaphore, #tpu.memory_space<semaphore_mem>> -> memref<1x!tpu.dma_semaphore, #tpu.memory_space<semaphore_mem>>
          %dma_start3A_151 = tpu.memref_squeeze %dma_start3A_150 : memref<1x!tpu.dma_semaphore, #tpu.memory_space<semaphore_mem>> -> memref<!tpu.dma_semaphore, #tpu.memory_space<semaphore_mem>>
          %dma_start3A_152 = arith.constant 0 : i32
          %dma_start3A_153 = tpu.memref_slice %arg7[%dma_start3A_143, %dma_start3A_152] : memref<4x64xi32, #tpu.memory_space<vmem>> -> memref<1x64xi32, #tpu.memory_space<vmem>>
          %dma_start3A_154 = tpu.memref_squeeze %dma_start3A_153 : memref<1x64xi32, #tpu.memory_space<vmem>> -> memref<64xi32, #tpu.memory_space<vmem>>
          %dma_start3A_155 = tpu.memref_slice %arg3[%dma_start3A, %mul3A_142] : memref<2x320000xi32, #tpu.memory_space<hbm>> -> memref<1x64xi32, #tpu.memory_space<hbm>>
          %dma_start3A_156 = tpu.memref_squeeze %dma_start3A_155 : memref<1x64xi32, #tpu.memory_space<hbm>> -> memref<64xi32, #tpu.memory_space<hbm>>
          tpu.enqueue_dma source(%dma_start3A_156 : memref<64xi32, #tpu.memory_space<hbm>>) target(%dma_start3A_154 : memref<64xi32, #tpu.memory_space<vmem>>) target_semaphore(%dma_start3A_151 : memref<!tpu.dma_semaphore, #tpu.memory_space<semaphore_mem>>)
          %dma_start3A_157 = arith.constant 2 : i32
          %dma_start3A_158 = arith.constant 2 : i32
          %dma_start3A_159 = arith.constant 0 : i32
          %dma_start3A_160 = arith.constant 0 : i32
          %dma_start3A_161 = tpu.memref_slice %arg6[%dma_start3A_157, %dma_start3A_159, %dma_start3A_160] : memref<4x64x128xf32, #tpu.memory_space<vmem>> -> memref<1x64x128xf32, #tpu.memory_space<vmem>>
          %dma_start3A_162 = tpu.memref_squeeze %dma_start3A_161 : memref<1x64x128xf32, #tpu.memory_space<vmem>> -> memref<64x128xf32, #tpu.memory_space<vmem>>
          %dma_start3A_163 = arith.constant 0 : i32
          %dma_start3A_164 = tpu.memref_slice %arg2[%mul3A_142, %dma_start3A_163] : memref<320000x128xf32, #tpu.memory_space<hbm>> -> memref<64x128xf32, #tpu.memory_space<hbm>>
          %dma_start3A_165 = tpu.memref_slice %arg9[%dma_start3A_158] : memref<4x!tpu.dma_semaphore, #tpu.memory_space<semaphore_mem>> -> memref<1x!tpu.dma_semaphore, #tpu.memory_space<semaphore_mem>>
          %dma_start3A_166 = tpu.memref_squeeze %dma_start3A_165 : memref<1x!tpu.dma_semaphore, #tpu.memory_space<semaphore_mem>> -> memref<!tpu.dma_semaphore, #tpu.memory_space<semaphore_mem>>
          %dma_start3A_167 = arith.constant 0 : i32
          %dma_start3A_168 = arith.constant 0 : i32
          %dma_start3A_169 = tpu.memref_slice %arg6[%dma_start3A_157, %dma_start3A_167, %dma_start3A_168] : memref<4x64x128xf32, #tpu.memory_space<vmem>> -> memref<1x64x128xf32, #tpu.memory_space<vmem>>
          %dma_start3A_170 = tpu.memref_squeeze %dma_start3A_169 : memref<1x64x128xf32, #tpu.memory_space<vmem>> -> memref<64x128xf32, #tpu.memory_space<vmem>>
          %dma_start3A_171 = arith.constant 0 : i32
          %dma_start3A_172 = tpu.memref_slice %arg2[%mul3A_142, %dma_start3A_171] : memref<320000x128xf32, #tpu.memory_space<hbm>> -> memref<64x128xf32, #tpu.memory_space<hbm>>
          tpu.enqueue_dma source(%dma_start3A_172 : memref<64x128xf32, #tpu.memory_space<hbm>>) target(%dma_start3A_170 : memref<64x128xf32, #tpu.memory_space<vmem>>) target_semaphore(%dma_start3A_166 : memref<!tpu.dma_semaphore, #tpu.memory_space<semaphore_mem>>)
        } else {
        }
      } else {
      }
      %add3A_92 = arith.constant 3 : i32
      %add3A_93 = arith.addi %mul3A_73, %add3A_92 : i32
      %lt3A_94 = arith.cmpi slt, %add3A_93, %add3A_8 : i32
      %convert_element_type3A_95 = arith.extui %lt3A_94 : i1 to i32
      %cond3A_96 = arith.constant 0 : i32
      %cond3A_97 = arith.cmpi ne, %convert_element_type3A_95, %cond3A_96 : i32
      scf.if %cond3A_97 {
        %add3A_98 = arith.addi %add3A_4, %add3A_93 : i32
        %mul3A_99 = arith.constant 64 : i32
        %mul3A_100 = arith.muli %add3A_98, %mul3A_99 : i32
        %dma_wait3A = arith.constant 1 : i32
        %dma_wait3A_101 = arith.constant 3 : i32
        %dma_wait3A_102 = arith.constant 3 : i32
        %dma_wait3A_103 = arith.constant 0 : i32
        %dma_wait3A_104 = tpu.memref_slice %arg7[%dma_wait3A_101, %dma_wait3A_103] : memref<4x64xi32, #tpu.memory_space<vmem>> -> memref<1x64xi32, #tpu.memory_space<vmem>>
        %dma_wait3A_105 = tpu.memref_squeeze %dma_wait3A_104 : memref<1x64xi32, #tpu.memory_space<vmem>> -> memref<64xi32, #tpu.memory_space<vmem>>
        %dma_wait3A_106 = tpu.memref_slice %arg3[%dma_wait3A, %mul3A_100] : memref<2x320000xi32, #tpu.memory_space<hbm>> -> memref<1x64xi32, #tpu.memory_space<hbm>>
        %dma_wait3A_107 = tpu.memref_squeeze %dma_wait3A_106 : memref<1x64xi32, #tpu.memory_space<hbm>> -> memref<64xi32, #tpu.memory_space<hbm>>
        %dma_wait3A_108 = tpu.memref_slice %arg10[%dma_wait3A_102] : memref<4x!tpu.dma_semaphore, #tpu.memory_space<semaphore_mem>> -> memref<1x!tpu.dma_semaphore, #tpu.memory_space<semaphore_mem>>
        %dma_wait3A_109 = tpu.memref_squeeze %dma_wait3A_108 : memref<1x!tpu.dma_semaphore, #tpu.memory_space<semaphore_mem>> -> memref<!tpu.dma_semaphore, #tpu.memory_space<semaphore_mem>>
        %dma_wait3A_110 = arith.constant 0 : i32
        %dma_wait3A_111 = tpu.memref_slice %arg7[%dma_wait3A_101, %dma_wait3A_110] : memref<4x64xi32, #tpu.memory_space<vmem>> -> memref<1x64xi32, #tpu.memory_space<vmem>>
        %dma_wait3A_112 = tpu.memref_squeeze %dma_wait3A_111 : memref<1x64xi32, #tpu.memory_space<vmem>> -> memref<64xi32, #tpu.memory_space<vmem>>
        %dma_wait3A_113 = tpu.memref_slice %arg3[%dma_wait3A, %mul3A_100] : memref<2x320000xi32, #tpu.memory_space<hbm>> -> memref<1x64xi32, #tpu.memory_space<hbm>>
        %dma_wait3A_114 = tpu.memref_squeeze %dma_wait3A_113 : memref<1x64xi32, #tpu.memory_space<hbm>> -> memref<64xi32, #tpu.memory_space<hbm>>
        tpu.wait_dma2 semaphore(%dma_wait3A_109 : memref<!tpu.dma_semaphore, #tpu.memory_space<semaphore_mem>>) src(%dma_wait3A_114 : memref<64xi32, #tpu.memory_space<hbm>>) dst(%dma_wait3A_112 : memref<64xi32, #tpu.memory_space<vmem>>)
        %dma_wait3A_115 = arith.constant 3 : i32
        %dma_wait3A_116 = arith.constant 3 : i32
        %dma_wait3A_117 = arith.constant 0 : i32
        %dma_wait3A_118 = arith.constant 0 : i32
        %dma_wait3A_119 = tpu.memref_slice %arg6[%dma_wait3A_115, %dma_wait3A_117, %dma_wait3A_118] : memref<4x64x128xf32, #tpu.memory_space<vmem>> -> memref<1x64x128xf32, #tpu.memory_space<vmem>>
        %dma_wait3A_120 = tpu.memref_squeeze %dma_wait3A_119 : memref<1x64x128xf32, #tpu.memory_space<vmem>> -> memref<64x128xf32, #tpu.memory_space<vmem>>
        %dma_wait3A_121 = arith.constant 0 : i32
        %dma_wait3A_122 = tpu.memref_slice %arg2[%mul3A_100, %dma_wait3A_121] : memref<320000x128xf32, #tpu.memory_space<hbm>> -> memref<64x128xf32, #tpu.memory_space<hbm>>
        %dma_wait3A_123 = tpu.memref_slice %arg9[%dma_wait3A_116] : memref<4x!tpu.dma_semaphore, #tpu.memory_space<semaphore_mem>> -> memref<1x!tpu.dma_semaphore, #tpu.memory_space<semaphore_mem>>
        %dma_wait3A_124 = tpu.memref_squeeze %dma_wait3A_123 : memref<1x!tpu.dma_semaphore, #tpu.memory_space<semaphore_mem>> -> memref<!tpu.dma_semaphore, #tpu.memory_space<semaphore_mem>>
        %dma_wait3A_125 = arith.constant 0 : i32
        %dma_wait3A_126 = arith.constant 0 : i32
        %dma_wait3A_127 = tpu.memref_slice %arg6[%dma_wait3A_115, %dma_wait3A_125, %dma_wait3A_126] : memref<4x64x128xf32, #tpu.memory_space<vmem>> -> memref<1x64x128xf32, #tpu.memory_space<vmem>>
        %dma_wait3A_128 = tpu.memref_squeeze %dma_wait3A_127 : memref<1x64x128xf32, #tpu.memory_space<vmem>> -> memref<64x128xf32, #tpu.memory_space<vmem>>
        %dma_wait3A_129 = arith.constant 0 : i32
        %dma_wait3A_130 = tpu.memref_slice %arg2[%mul3A_100, %dma_wait3A_129] : memref<320000x128xf32, #tpu.memory_space<hbm>> -> memref<64x128xf32, #tpu.memory_space<hbm>>
        tpu.wait_dma2 semaphore(%dma_wait3A_124 : memref<!tpu.dma_semaphore, #tpu.memory_space<semaphore_mem>>) src(%dma_wait3A_130 : memref<64x128xf32, #tpu.memory_space<hbm>>) dst(%dma_wait3A_128 : memref<64x128xf32, #tpu.memory_space<vmem>>)
        %run_scoped3A = arith.constant 3 : i32
        %run_scoped3A_131 = arith.constant 3 : i32
        "tpu.region"() ({
          %run_scoped3A_138 = tpu.sem_alloc : memref<!tpu.dma_semaphore, #tpu.memory_space<semaphore_mem>>
          %dma_start3A = arith.constant 0 : i32
          %dma_start3A_139 = arith.constant 0 : i32
          %dma_start3A_140 = tpu.memref_slice %arg6[%run_scoped3A, %dma_start3A, %dma_start3A_139] : memref<4x64x128xf32, #tpu.memory_space<vmem>> -> memref<1x64x128xf32, #tpu.memory_space<vmem>>
          %dma_start3A_141 = tpu.memref_squeeze %dma_start3A_140 : memref<1x64x128xf32, #tpu.memory_space<vmem>> -> memref<64x128xf32, #tpu.memory_space<vmem>>
          %dma_start3A_142 = arith.constant 0 : i32
          %dma_start3A_143 = tpu.memref_slice %arg7[%run_scoped3A_131, %dma_start3A_142] : memref<4x64xi32, #tpu.memory_space<vmem>> -> memref<1x64xi32, #tpu.memory_space<vmem>>
          %dma_start3A_144 = tpu.memref_squeeze %dma_start3A_143 : memref<1x64xi32, #tpu.memory_space<vmem>> -> memref<64xi32, #tpu.memory_space<vmem>>
          %dma_start3A_145 = arith.constant 0 : i32
          %dma_start3A_146 = arith.constant 0 : i32
          %dma_start3A_147 = tpu.memref_slice %arg5[%dma_start3A_145, %dma_start3A_146] : memref<10240x128xf32, #tpu.memory_space<vmem_shared>> -> memref<10240x128xf32, #tpu.memory_space<vmem_shared>>
          tpu.enqueue_indirect_dma source(%dma_start3A_141 : memref<64x128xf32, #tpu.memory_space<vmem>>) target(%dma_start3A_147 : memref<10240x128xf32, #tpu.memory_space<vmem_shared>>) offsets(%dma_start3A_144 : memref<64xi32, #tpu.memory_space<vmem>>) semaphore(%run_scoped3A_138 : memref<!tpu.dma_semaphore, #tpu.memory_space<semaphore_mem>>) {add = true}
          %dma_wait3A_148 = arith.constant 0 : i32
          %dma_wait3A_149 = arith.constant 0 : i32
          %dma_wait3A_150 = tpu.memref_slice %arg6[%run_scoped3A, %dma_wait3A_148, %dma_wait3A_149] : memref<4x64x128xf32, #tpu.memory_space<vmem>> -> memref<1x64x128xf32, #tpu.memory_space<vmem>>
          %dma_wait3A_151 = tpu.memref_squeeze %dma_wait3A_150 : memref<1x64x128xf32, #tpu.memory_space<vmem>> -> memref<64x128xf32, #tpu.memory_space<vmem>>
          %dma_wait3A_152 = arith.constant 0 : i32
          %dma_wait3A_153 = tpu.memref_slice %arg7[%run_scoped3A_131, %dma_wait3A_152] : memref<4x64xi32, #tpu.memory_space<vmem>> -> memref<1x64xi32, #tpu.memory_space<vmem>>
          %dma_wait3A_154 = tpu.memref_squeeze %dma_wait3A_153 : memref<1x64xi32, #tpu.memory_space<vmem>> -> memref<64xi32, #tpu.memory_space<vmem>>
          %dma_wait3A_155 = arith.constant 0 : i32
          %dma_wait3A_156 = arith.constant 0 : i32
          %dma_wait3A_157 = tpu.memref_slice %arg5[%dma_wait3A_155, %dma_wait3A_156] : memref<10240x128xf32, #tpu.memory_space<vmem_shared>> -> memref<10240x128xf32, #tpu.memory_space<vmem_shared>>
          tpu.wait_indirect_dma semaphore(%run_scoped3A_138 : memref<!tpu.dma_semaphore, #tpu.memory_space<semaphore_mem>>) src(%dma_wait3A_151 : memref<64x128xf32, #tpu.memory_space<vmem>>) dst(%dma_wait3A_157 : memref<10240x128xf32, #tpu.memory_space<vmem_shared>>)
          tpu.yield
        }) : () -> ()
        %add3A_132 = arith.constant 4 : i32
        %add3A_133 = arith.addi %add3A_93, %add3A_132 : i32
        %lt3A_134 = arith.cmpi slt, %add3A_133, %add3A_8 : i32
        %convert_element_type3A_135 = arith.extui %lt3A_134 : i1 to i32
        %cond3A_136 = arith.constant 0 : i32
        %cond3A_137 = arith.cmpi ne, %convert_element_type3A_135, %cond3A_136 : i32
        scf.if %cond3A_137 {
          %add3A_138 = arith.constant 4 : i32
          %add3A_139 = arith.addi %add3A_93, %add3A_138 : i32
          %add3A_140 = arith.addi %add3A_4, %add3A_139 : i32
          %mul3A_141 = arith.constant 64 : i32
          %mul3A_142 = arith.muli %add3A_140, %mul3A_141 : i32
          %dma_start3A = arith.constant 1 : i32
          %dma_start3A_143 = arith.constant 3 : i32
          %dma_start3A_144 = arith.constant 3 : i32
          %dma_start3A_145 = arith.constant 0 : i32
          %dma_start3A_146 = tpu.memref_slice %arg7[%dma_start3A_143, %dma_start3A_145] : memref<4x64xi32, #tpu.memory_space<vmem>> -> memref<1x64xi32, #tpu.memory_space<vmem>>
          %dma_start3A_147 = tpu.memref_squeeze %dma_start3A_146 : memref<1x64xi32, #tpu.memory_space<vmem>> -> memref<64xi32, #tpu.memory_space<vmem>>
          %dma_start3A_148 = tpu.memref_slice %arg3[%dma_start3A, %mul3A_142] : memref<2x320000xi32, #tpu.memory_space<hbm>> -> memref<1x64xi32, #tpu.memory_space<hbm>>
          %dma_start3A_149 = tpu.memref_squeeze %dma_start3A_148 : memref<1x64xi32, #tpu.memory_space<hbm>> -> memref<64xi32, #tpu.memory_space<hbm>>
          %dma_start3A_150 = tpu.memref_slice %arg10[%dma_start3A_144] : memref<4x!tpu.dma_semaphore, #tpu.memory_space<semaphore_mem>> -> memref<1x!tpu.dma_semaphore, #tpu.memory_space<semaphore_mem>>
          %dma_start3A_151 = tpu.memref_squeeze %dma_start3A_150 : memref<1x!tpu.dma_semaphore, #tpu.memory_space<semaphore_mem>> -> memref<!tpu.dma_semaphore, #tpu.memory_space<semaphore_mem>>
          %dma_start3A_152 = arith.constant 0 : i32
          %dma_start3A_153 = tpu.memref_slice %arg7[%dma_start3A_143, %dma_start3A_152] : memref<4x64xi32, #tpu.memory_space<vmem>> -> memref<1x64xi32, #tpu.memory_space<vmem>>
          %dma_start3A_154 = tpu.memref_squeeze %dma_start3A_153 : memref<1x64xi32, #tpu.memory_space<vmem>> -> memref<64xi32, #tpu.memory_space<vmem>>
          %dma_start3A_155 = tpu.memref_slice %arg3[%dma_start3A, %mul3A_142] : memref<2x320000xi32, #tpu.memory_space<hbm>> -> memref<1x64xi32, #tpu.memory_space<hbm>>
          %dma_start3A_156 = tpu.memref_squeeze %dma_start3A_155 : memref<1x64xi32, #tpu.memory_space<hbm>> -> memref<64xi32, #tpu.memory_space<hbm>>
          tpu.enqueue_dma source(%dma_start3A_156 : memref<64xi32, #tpu.memory_space<hbm>>) target(%dma_start3A_154 : memref<64xi32, #tpu.memory_space<vmem>>) target_semaphore(%dma_start3A_151 : memref<!tpu.dma_semaphore, #tpu.memory_space<semaphore_mem>>)
          %dma_start3A_157 = arith.constant 3 : i32
          %dma_start3A_158 = arith.constant 3 : i32
          %dma_start3A_159 = arith.constant 0 : i32
          %dma_start3A_160 = arith.constant 0 : i32
          %dma_start3A_161 = tpu.memref_slice %arg6[%dma_start3A_157, %dma_start3A_159, %dma_start3A_160] : memref<4x64x128xf32, #tpu.memory_space<vmem>> -> memref<1x64x128xf32, #tpu.memory_space<vmem>>
          %dma_start3A_162 = tpu.memref_squeeze %dma_start3A_161 : memref<1x64x128xf32, #tpu.memory_space<vmem>> -> memref<64x128xf32, #tpu.memory_space<vmem>>
          %dma_start3A_163 = arith.constant 0 : i32
          %dma_start3A_164 = tpu.memref_slice %arg2[%mul3A_142, %dma_start3A_163] : memref<320000x128xf32, #tpu.memory_space<hbm>> -> memref<64x128xf32, #tpu.memory_space<hbm>>
          %dma_start3A_165 = tpu.memref_slice %arg9[%dma_start3A_158] : memref<4x!tpu.dma_semaphore, #tpu.memory_space<semaphore_mem>> -> memref<1x!tpu.dma_semaphore, #tpu.memory_space<semaphore_mem>>
          %dma_start3A_166 = tpu.memref_squeeze %dma_start3A_165 : memref<1x!tpu.dma_semaphore, #tpu.memory_space<semaphore_mem>> -> memref<!tpu.dma_semaphore, #tpu.memory_space<semaphore_mem>>
          %dma_start3A_167 = arith.constant 0 : i32
          %dma_start3A_168 = arith.constant 0 : i32
          %dma_start3A_169 = tpu.memref_slice %arg6[%dma_start3A_157, %dma_start3A_167, %dma_start3A_168] : memref<4x64x128xf32, #tpu.memory_space<vmem>> -> memref<1x64x128xf32, #tpu.memory_space<vmem>>
          %dma_start3A_170 = tpu.memref_squeeze %dma_start3A_169 : memref<1x64x128xf32, #tpu.memory_space<vmem>> -> memref<64x128xf32, #tpu.memory_space<vmem>>
          %dma_start3A_171 = arith.constant 0 : i32
          %dma_start3A_172 = tpu.memref_slice %arg2[%mul3A_142, %dma_start3A_171] : memref<320000x128xf32, #tpu.memory_space<hbm>> -> memref<64x128xf32, #tpu.memory_space<hbm>>
          tpu.enqueue_dma source(%dma_start3A_172 : memref<64x128xf32, #tpu.memory_space<hbm>>) target(%dma_start3A_170 : memref<64x128xf32, #tpu.memory_space<vmem>>) target_semaphore(%dma_start3A_166 : memref<!tpu.dma_semaphore, #tpu.memory_space<semaphore_mem>>)
        } else {
        }
      } else {
      }
    }
    %barrier3A_66 = arith.constant 0 : index
    tpu.barrier barrier_id(%barrier3A_66)
    %mul3A_67 = arith.constant 640 : i32
    %mul3A_68 = arith.muli %arg1, %mul3A_67 : i32
    %mul3A_69 = arith.constant 640 : i32
    %mul3A_70 = arith.muli %arg1, %mul3A_69 : i32
    "tpu.region"() ({
      %run_scoped3A = tpu.sem_alloc : memref<!tpu.dma_semaphore, #tpu.memory_space<semaphore_mem>>
      %dma_start3A = arith.constant 0 : i32
      %dma_start3A_71 = tpu.memref_slice %arg4[%arg0, %mul3A_70, %dma_start3A] : memref<2x10240x128xf32, #tpu.memory_space<hbm>> -> memref<1x640x128xf32, #tpu.memory_space<hbm>>
      %dma_start3A_72 = tpu.memref_squeeze %dma_start3A_71 : memref<1x640x128xf32, #tpu.memory_space<hbm>> -> memref<640x128xf32, #tpu.memory_space<hbm>>
      %dma_start3A_73 = arith.constant 0 : i32
      %dma_start3A_74 = tpu.memref_slice %arg5[%mul3A_68, %dma_start3A_73] : memref<10240x128xf32, #tpu.memory_space<vmem_shared>> -> memref<640x128xf32, #tpu.memory_space<vmem_shared>>
      tpu.enqueue_dma source(%dma_start3A_74 : memref<640x128xf32, #tpu.memory_space<vmem_shared>>) target(%dma_start3A_72 : memref<640x128xf32, #tpu.memory_space<hbm>>) target_semaphore(%run_scoped3A : memref<!tpu.dma_semaphore, #tpu.memory_space<semaphore_mem>>)
      %dma_wait3A = arith.constant 0 : i32
      %dma_wait3A_75 = tpu.memref_slice %arg4[%arg0, %mul3A_70, %dma_wait3A] : memref<2x10240x128xf32, #tpu.memory_space<hbm>> -> memref<1x640x128xf32, #tpu.memory_space<hbm>>
      %dma_wait3A_76 = tpu.memref_squeeze %dma_wait3A_75 : memref<1x640x128xf32, #tpu.memory_space<hbm>> -> memref<640x128xf32, #tpu.memory_space<hbm>>
      %dma_wait3A_77 = arith.constant 0 : i32
      %dma_wait3A_78 = tpu.memref_slice %arg5[%mul3A_68, %dma_wait3A_77] : memref<10240x128xf32, #tpu.memory_space<vmem_shared>> -> memref<640x128xf32, #tpu.memory_space<vmem_shared>>
      tpu.wait_dma2 semaphore(%run_scoped3A : memref<!tpu.dma_semaphore, #tpu.memory_space<semaphore_mem>>) src(%dma_wait3A_78 : memref<640x128xf32, #tpu.memory_space<vmem_shared>>) dst(%dma_wait3A_76 : memref<640x128xf32, #tpu.memory_space<hbm>>)
      tpu.yield
    }) : () -> ()
    return
  }
}

module attributes {stable_mosaic.version = 14 : i64} {
  func.func @add_body(%arg0: memref<2x10240x128xf32, #tpu.memory_space<vmem>>, %arg1: memref<10000x128xf32, #tpu.memory_space<vmem>>) attributes {dimension_semantics = [], scalar_prefetch = 0 : i64, scratch_operands = 0 : i64, tpu.core_type = #tpu.core_type<tc>} {
    %get3A = arith.constant 0 : index
    %get3A_0 = arith.constant 0 : index
    %get3A_1 = arith.constant 0 : index
    %get3A_2 = vector.load %arg0[%get3A, %get3A_0, %get3A_1] : memref<2x10240x128xf32, #tpu.memory_space<vmem>>, vector<1x10000x128xf32>
    %get3A_3 = vector.shape_cast %get3A_2 : vector<1x10000x128xf32> to vector<10000x128xf32>
    %get3A_4 = arith.constant 1 : index
    %get3A_5 = arith.constant 0 : index
    %get3A_6 = arith.constant 0 : index
    %get3A_7 = vector.load %arg0[%get3A_4, %get3A_5, %get3A_6] : memref<2x10240x128xf32, #tpu.memory_space<vmem>>, vector<1x10000x128xf32>
    %get3A_8 = vector.shape_cast %get3A_7 : vector<1x10000x128xf32> to vector<10000x128xf32>
    %add3A = arith.addf %get3A_3, %get3A_8 : vector<10000x128xf32>
    %swap3A = arith.constant 0 : index
    %swap3A_9 = arith.constant 0 : index
    %swap3A_10 = vector.load %arg1[%swap3A, %swap3A_9] : memref<10000x128xf32, #tpu.memory_space<vmem>>, vector<10000x128xf32>
    tpu.vector_store %arg1[%swap3A, %swap3A_9], %add3A {strides = array<i32>} : memref<10000x128xf32, #tpu.memory_space<vmem>>, vector<10000x128xf32>,
    return
  }
}

</mosaic_0001>

<sc_bundles>
// kernel: kernel.4.cloned.1.call-start
scs
__scs_entry_jumppad:
0x0: {  	(pc) =	sbr.rel $0x88, $3  }
0x1: {  	(tag) =	ssettag $0x0;
	lr =	simm.s32 $0x1  }
0x2: {  	[smem:$0x3F9F] =	sst lr;
	_ =	strace $0xD0000000  }
0x3: {  	_ = 	snop  }
0x4: {  	_ = 	snop  }
0x5: {  	_ = 	snop  }
0x6: {  	_ = 	snop  }
0x7: {  	_ = 	snop  }
__scs_overlays_trampoline_lowered:
0x8: {  	[smem:$0x3FAE] =	sst s0  }
0x9: {  	[smem:$0x3FAF] =	sst s1  }
0xa: {  	[smem:$0x3FB0] =	sst s2  }
0xb: {  	[smem:$0x3FB1] =	sst s3  }
0xc: {  	[smem:$0x3FB2] =	sst s4  }
0xd: {  	[smem:$0x3FB3] =	sst s5  }
0xe: {  	[smem:$0x3FB4] =	sst s6  }
0xf: {  	[smem:$0x3FB5] =	sst s7  }
0x10: {  	[smem:$0x3FB6] =	sst s8  }
0x11: {  	[smem:$0x3FB7] =	sst s9;
	s0 =	simm.s32 @!p0 $0x0  }
0x12: {  	s1 =	sld [smem:$0x3F9D];
	s0 =	simm.s32 @p0 $0x1  }
0x13: {  	[smem:$0x3FB8] =	sst s0;
	s0 =	simm.s32 @!p1 $0x0  }
0x14: {  	s2 =	sld [smem:$0x3F9C];
	s0 =	simm.s32 @p1 $0x1  }
0x15: {  	[smem:$0x3FB9] =	sst s0;
	s0 =	simm.s32 @!p2 $0x0  }
0x16: {  	s3 =	sld [smem:$0x3FDB];
	s0 =	simm.s32 @p2 $0x1  }
0x17: {  	s4 =	simm.s32 $0x1BF5;
	[smem:$0x3FBB] =	sst s0  }
0x18: {  	s0 =	sld [smem:$0x3F9E];
	_ =	swait.ge [sflag:s4], $0x0  }
0x19: {  	s7 =	sld [smem:$0x3F9F]  }
0x1a: {  	s8 =	sadd.s32 $0xFFFFE003, lr  }
0x1b: {  	s9 =	sadd.s32 $0xFFFFFEF7, lr;
	s5 =	simm.s32 $0xFFFFFFFF;
	p2 =	slt.u32 s8, $0xFFFFF086  }
0x1c: {  	p1 =	slt.u32 s9, $0xF7A;
	s5 =	simm.s32 @!p2 $0x0  }
0x1d: {  	s5 =	simm.s32 @p1 $0x1;
	p0 =	seq.s32 s7, s2  }
0x1e: {  	s7 =	smul.u32 @!p0 $0xF7A, s2;
	p2 =	seq.s32 @!p0 s5, $0x0  }
0x1f: {  	s9 =	smul.u32 $0xF7A, s1;
	s8 =	simm.s32 @!p0 $0x1BF5;
	p2 =	por !p2, p0  }
0x20: {  	[sflag:s8] =	ssyncset.s32 @!p0 $0xFFFFF086;
	s6 =	sadd.s32 @!p0 s3, s7;
	s7 =	simm.s32 @!p0 $0x108  }
0x21: {  	s3 =	sadd.s32 s3, s9;
	s6 =	sadd.s32 @!p0 $0x88, s6;
	s7 =	simm.s32 @p2 $0x1082  }
0x22: {  	[simem:s7], [sflag:s8] =	dma.local @!p0 [hbm:s6], $0xF7A  }
0x23: {  	s9 =	sor.u32 $0xD0000000, s2;
	s6 =	simm.s32 $0x108;
	_ =	swait.ge @!p0 [sflag:s8], $0x0  }
0x24: {  	s3 =	sadd.s32 $0x88, s3;
	s6 =	simm.s32 @!p1 $0x1082;
	[sflag:s4] =	ssyncset.s32 $0xFFFFF086  }
0x25: {  	[simem:s6], [sflag:s4] =	dma.local [hbm:s3], $0xF7A  }
0x26: {  	[smem:$0x3F9F] =	sst s1;
	(tag) =	ssettag s2;
	_ =	strace s9  }
0x27: {  	s1 =	sld [smem:$0x3FAF]  }
0x28: {  	s2 =	sld [smem:$0x3FB0]  }
0x29: {  	s4 =	sld [smem:$0x3FB2]  }
0x2a: {  	p0 =	seq.s32 s5, $0x0;
	s5 =	sld [smem:$0x3FB3]  }
0x2b: {  	s6 =	sld [smem:$0x3FB4]  }
0x2c: {  	s7 =	sld [smem:$0x3FB5]  }
0x2d: {  	s3 =	simm.s32 $0x108;
	s8 =	sld [smem:$0x3FB6]  }
0x2e: {  	s3 =	simm.s32 @!p0 $0x1082;
	s9 =	sld [smem:$0x3FB7]  }
0x2f: {  	lr =	sadd.s32 s0, s3;
	s0 =	sld [smem:$0x3FAE]  }
0x30: {  	s3 =	sld [smem:$0x3FB1]  }
0x31: {  	[smem:$0x3FBA] =	sst s10  }
0x32: {  	s10 =	sld [smem:$0x3FB8];
	_ =	sdelay $0x3  }
0x33: {  	p0 =	seq.s32 s10, $0x1;
	s10 =	sld [smem:$0x3FBA];
	_ =	sdelay $0x3  }
0x34: {  	[smem:$0x3FBA] =	sst s10  }
0x35: {  	s10 =	sld [smem:$0x3FB9];
	_ =	sdelay $0x3  }
0x36: {  	p1 =	seq.s32 s10, $0x1;
	s10 =	sld [smem:$0x3FBA];
	_ =	sdelay $0x3  }
0x37: {  	[smem:$0x3FBA] =	sst s10  }
0x38: {  	s10 =	sld [smem:$0x3FBB]  }
0x39: {  	_ = 	snop;
	(pc) =	sbr.ind lr, $3  }
0x3a: {  	_ = 	snop  }
0x3b: {  	_ = 	snop  }
0x3c: {  	p2 =	seq.s32 s10, $0x1;
	s10 =	sld [smem:$0x3FBA]  }
0x3d: {  	_ =	shalt  }
0x3e: {  	_ =	shalt  }
0x3f: {  	_ =	shalt  }
0x40: {  	_ =	shalt  }
0x41: {  	_ =	shalt  }
0x42: {  	_ =	shalt  }
0x43: {  	_ =	shalt  }
0x44: {  	_ =	shalt  }
0x45: {  	_ =	shalt  }
0x46: {  	_ =	shalt  }
0x47: {  	_ =	shalt  }
0x48: {  	_ =	shalt  }
0x49: {  	_ =	shalt  }
0x4a: {  	_ =	shalt  }
0x4b: {  	_ =	shalt  }
0x4c: {  	_ =	shalt  }
0x4d: {  	_ =	shalt  }
0x4e: {  	_ =	shalt  }
0x4f: {  	_ =	shalt  }
0x50: {  	_ =	shalt  }
0x51: {  	_ =	shalt  }
0x52: {  	_ =	shalt  }
0x53: {  	_ =	shalt  }
0x54: {  	_ =	shalt  }
0x55: {  	_ =	shalt  }
0x56: {  	_ =	shalt  }
0x57: {  	_ =	shalt  }
0x58: {  	_ =	shalt  }
0x59: {  	_ =	shalt  }
0x5a: {  	_ =	shalt  }
0x5b: {  	_ =	shalt  }
0x5c: {  	_ =	shalt  }
0x5d: {  	_ =	shalt  }
0x5e: {  	_ =	shalt  }
0x5f: {  	_ =	shalt  }
0x60: {  	_ =	shalt  }
0x61: {  	_ =	shalt  }
0x62: {  	_ =	shalt  }
0x63: {  	_ =	shalt  }
0x64: {  	_ =	shalt  }
0x65: {  	_ =	shalt  }
0x66: {  	_ =	shalt  }
0x67: {  	_ =	shalt  }
0x68: {  	_ =	shalt  }
0x69: {  	_ =	shalt  }
0x6a: {  	_ =	shalt  }
0x6b: {  	_ =	shalt  }
0x6c: {  	_ =	shalt  }
0x6d: {  	_ =	shalt  }
0x6e: {  	_ =	shalt  }
0x6f: {  	_ =	shalt  }
0x70: {  	_ =	shalt  }
0x71: {  	_ =	shalt  }
0x72: {  	_ =	shalt  }
0x73: {  	_ =	shalt  }
0x74: {  	_ =	shalt  }
0x75: {  	_ =	shalt  }
0x76: {  	_ =	shalt  }
0x77: {  	_ =	shalt  }
0x78: {  	_ =	shalt  }
0x79: {  	_ =	shalt  }
0x7a: {  	_ =	shalt  }
0x7b: {  	_ =	shalt  }
0x7c: {  	_ =	shalt  }
0x7d: {  	_ =	shalt  }
0x7e: {  	_ =	shalt  }
0x7f: {  	_ =	shalt  }
0x80: {  	_ =	shalt  }
0x81: {  	_ =	shalt  }
0x82: {  	_ =	shalt  }
0x83: {  	_ =	shalt  }
0x84: {  	_ =	shalt  }
0x85: {  	_ =	shalt  }
0x86: {  	_ =	shalt  }
0x87: {  	_ =	shalt  }
.Lfunc_end0:
.L_simem_size_0:
called_computation_lowered:
.L_overlay_start_0:
0x88: {  	s2 =	sld [smem:$0x3FD9]  }
0x89: {  	s3 =	sld [smem:$0x3FFE];
	_ =	sdelay $0x1  }
0x8a: {  	s1 =	srdreg.scid  }
0x8b: {  	s0 =	sand.u32 $0x1, s1  }
0x8c: {  	s17 =	sshll.u32 s0, $0xA;
	s2 =	sadd.s32 s3, s2  }
0x8d: {  	s2 =	sadd.s32 s2, s17  }
0x8e: {  	[smem:$0x3FC6] =	sst s2  }
0x8f: {  	_ = 	snop  }
0x90: {  	s2 =	sld [smem:$0x3FC9]  }
0x91: {  	s18 =	sld [smem:$0x3FC8];
	(tm) =	ssettm $0x1  }
0x92: {  	s4 =	sld [smem:$0x3FFB];
	_ =	sdelay $0x3  }
0x93: {  	_ =	strace s4  }
0x94: {  	s4 =	sld [smem:$0x3FFC];
	_ =	sdelay $0x3  }
0x95: {  	_ =	strace s4  }
0x96: {  	s4 =	sld [smem:$0x3FFD];
	_ =	sdelay $0x3  }
0x97: {  	_ =	strace s4  }
0x98: {  	_ =	strace $0x8FFFFFFF  }
0x99: {  	s19 =	sld [smem:$0x3FDB];
	_ =	sdelay $0x1  }
0x9a: {  	s5 =	simm.s32 $_scs_section_size  }
0x9b: {  	s6 =	simm.s32 $_size__tile_overlayer_lowered;
	s7 =	simm.s32 $_tile_overlayer_lowered  }
0x9c: {  	s22 =	simm.s32 $0x1BFF;
	s21 =	sshll.u32 s7, $0x1;
	s4 =	sadd.s32 s5, s19  }
0x9d: {  	s8 =	simm.s32 $0x0;
	s20 =	sshll.u32 s6, $0x1;
	s6 =	sadd.s32 s21, s4  }
0x9e: {  	[timem:s8], [sflag:s22] =	dma.local [hbm:s6], s20  }
0x9f: {  	_ =	swait.ge [sflag:s22], s20  }
0xa0: {  	s5 =	ssub.s32 $0x0, s20;
	[sflag:s22] =	ssyncset.done $0x0  }
0xa1: {  	[sflag:s22] =	ssyncadd.s32 s5;
	_ =	sdelay $0x1  }
0xa2: {  	s23 =	simm.s32 $0x1B8B  }
0xa3: {  	_ =	swait.ge [sflag:s23], $0x1  }
0xa4: {  	[sflag:s23] =	ssyncset.done $0x0  }
0xa5: {  	s25 =	simm.s32 $0x1B8E;
	s24 =	sld [smem:$0x3FFE];
	[sflag:s23] =	ssyncadd.s32 $0xFFFFFFFF  }
0xa6: {  	s26 =	simm.s32 $execute0_lowered;
	[smem:$0x3FD2] =	sst s25  }
0xa7: {  	s6 =	sshll.u32 s26, $0x1;
	_ =	strace $0x80000046;
	[dreg:$0x1] =	wrdreg $0xFFFFFFFF  }
0xa8: {  	s28 =	simm.s32 $_size_execute0_lowered;
	s4 =	sadd.s32 s4, s6;
	[dreg:$0x0] =	wrdreg $0x0  }
0xa9: {  	s6 =	sshll.u32 s28, $0x1;
	[dreg:$0x2] =	wrdreg s4  }
0xaa: {  	[dreg:$0x3] =	wrdreg s6  }
0xab: {  	[dreg:$0x4] =	wrdreg $0xC0  }
0xac: {  	_ =	task [dreg:s8], $0x5FFFF  }
0xad: {  	[dreg:$0x1] =	wrdreg $0xFFFFFFFF  }
0xae: {  	[dreg:$0x0] =	wrdreg $0x60  }
0xaf: {  	[dreg:$0x2] =	wrdreg s2  }
0xb0: {  	[dreg:$0x3] =	wrdreg s18  }
0xb1: {  	[dreg:$0x4] =	wrdreg s24  }
0xb2: {  	[dreg:$0x5] =	wrdreg $0x0  }
0xb3: {  	[dreg:$0x6] =	wrdreg $0x9  }
0xb4: {  	_ =	task.clear_ibuf [dreg:s8], $0x7FFFF;
	_ =	strace $0x90000046  }
0xb5: {  	s29 =	simm.s32 $0x9;
	_ =	strace $0x80000048  }
0xb6: {  	_ =	swait.ge [sflag:s29], $0x1  }
0xb7: {  	[sflag:s29] =	ssyncadd.s32 $0xFFFFFFFF  }
0xb8: {  	_ =	strace $0x90000048  }
0xb9: {  	_ =	sfence  }
0xba: {  	s30 =	sld [smem:$0x0];
	_ =	sdelay $0x2  }
0xbb: {  	s31 =	sshll.u32 s1, $0xD;
	s1 =	sshrl.u32 s1, $0x2  }
0xbc: {  	s3 =	sand.u32 $0x4000, s31;
	s1 =	sadd.s32 s1, s30  }
0xbd: {  	s0 =	sor.u32 s3, s0;
	s1 =	sshll.u32 s1, $0x11  }
0xbe: {  	s0 =	sor.u32 s1, s0  }
0xbf: {  	s0 =	sadd.s32 $0x8F2B, s0  }
0xc0: {  	[sflag:s0] =	ssyncadd.remote.s32 $0x1  }
0xc1: {  	_ =	sfence.sel $0xFFFF  }
0xc2: {  	[dreg:$0x0] =	wrdreg $0xFFFFFFFF;
	(pc) =	sbr.abs _section_cstart, $3  }
0xc3: {  	[dreg:$0x1] =	wrdreg $0xFFFFFFFF  }
0xc4: {  	_ =	task.clear_ibuf [dreg:s8], $0x2FFFF;
	_ =	strace $0x9FFFFFFF  }
0xc5: {  	(tm) =	ssettm $0x7FFFFFFF  }
tec
execute0_lowered:
.L_overlay_start_1:
0x0: {  	(tag) =	ssettag $0x1  }
0x1: {  	s14 =	rddreg [dreg:$0x0]  }
0x2: {  	s2 =	rddreg [dreg:$0x1]  }
0x3: {  	s4 =	rddreg [dreg:$0x2]  }
0x4: {  	s0 =	srdreg.scid;
	s16 =	stileid.u32  }
0x5: {  	s5 =	simm.s32 $0x0;
	s0 =	sand.u32 $0x1, s0;
	s6 =	smul.u32 $0x14000, s16  }
0x6: {  	[smem:$0x7FF] =	sst s5;
	s1 =	smul.u32 $0x140000, s0  }
0x7: {  	s3 =	rddreg [dreg:$0x3];
	s7 =	sshll.u32 s0, $0x4;
	_ =	strace $0x80000047  }
0x8: {  	s20 =	ssub.s32 $0x2, s0;
	s7 =	sor.u32 s16, s7;
	s1 =	sadd.s32 s6, s1  }
0x9: {  	s10 =	sshrl.u32 s20, $0x1;
	s8 =	smul.u32 $0x9C, s7;
	s9 =	sshrl.u32 s1, $0x3  }
0xa: {  	p0 =	slt.u32 s7, $0x8;
	s1 =	smin.u32 s7, $0x8;
	s4 =	sadd.s32 s9, s4  }
0xb: {  	s9 =	ssub.s32 s20, s10;
	s8 =	sadd.s32 s1, s8;
	s21 =	sshll.u32 s1, $0x6  }
0xc: {  	s20 =	smul.u32 $0x50000, s16;
	s22 =	sshll.u32 s8, $0x6;
	s23 =	sshll.u32 s8, $0x7  }
0xd: {  	s6 =	sand.u32 $0x40, s21;
	s8 =	sshll.u32 s8, $0xA;
	s4 =	sadd.s32 $0x600, s4  }
0xe: {  	s11 =	sadd.s32 $0x40, s22;
	s10 =	sor.u32 s6, s23;
	s6 =	simm.s32 $0x9D  }
0xf: {  	s8 =	sadd.s32 s14, s8;
	s26 =	sadd.s32 $0x80, s22;
	s7 =	sadd.s32 $0xC0, s22  }
0x10: {  	s21 =	sshrl.u32 s20, $0x2;
	[dreg:$0x15] =	wrdreg s4;
	s12 =	sshll.u32 s11, $0x1  }
0x11: {  	s13 =	sand.u32 $0x40, s11;
	s10 =	sshrl.u32 s10, $0x3;
	s6 =	simm.s32 @!p0 $0x9C  }
0x12: {  	[dreg:$0xe] =	wrdreg s8;
	s17 =	sshll.u32 s7, $0x1;
	s8 =	sshll.u32 s26, $0x4  }
0x13: {  	s18 =	sand.u32 $0x40, s7;
	s12 =	sor.u32 s13, s12;
	s8 =	sadd.s32 s14, s8  }
0x14: {  	s13 =	sand.u32 $0x40, s22;
	s22 =	sadd.s32 $0xFFFFFFFF, s6;
	[dreg:$0x12] =	wrdreg s8  }
0x15: {  	s7 =	sshll.u32 s7, $0x4;
	s23 =	sadd.s32 $0xFFFFFFFE, s6;
	[dreg:$0x6] =	wrdreg s22  }
0x16: {  	s10 =	sor.u32 $0x10, s10;
	s7 =	sadd.s32 s14, s7;
	[dreg:$0x8] =	wrdreg s23  }
0x17: {  	s12 =	sshrl.u32 s12, $0x3;
	s10 =	sadd.s32 s2, s10;
	[dreg:$0x14] =	wrdreg s7  }
0x18: {  	s11 =	sshll.u32 s11, $0x4;
	[dreg:$0xd] =	wrdreg s10;
	s24 =	sor.u32 $0x10, s12  }
0x19: {  	s12 =	sshll.u32 s26, $0x1;
	s10 =	sadd.s32 s14, s11;
	s11 =	sor.u32 s18, s17  }
0x1a: {  	s26 =	smul.u32 $0x9C, s16;
	s17 =	sand.u32 $0x1, s1;
	s25 =	sadd.s32 s2, s24  }
0x1b: {  	[dreg:$0x10] =	wrdreg s10;
	s15 =	sor.u32 s13, s12;
	s19 =	sshrl.u32 s11, $0x3  }
0x1c: {  	s11 =	simm.s32 $0xA0;
	s24 =	smul.u32 $0x9C0, s0;
	s13 =	smax.u32 s9, $0x1  }
0x1d: {  	s0 =	smul.u32 $0x4E000, s0;
	p6 =	seq.s32 s17, $0x1;
	s7 =	sshll.u32 s17, $0x6  }
0x1e: {  	[dreg:$0xf] =	wrdreg s25;
	s10 =	sshrl.u32 s15, $0x3;
	s8 =	sor.u32 $0x10, s19  }
0x1f: {  	s11 =	simm.s32 @!p0 $0x9C;
	s25 =	sadd.s32 $0xFFFFFFFD, s6;
	s15 =	sadd.s32 s21, s3  }
0x20: {  	[dreg:$0x16] =	wrdreg s13;
	s21 =	smul.u32 $0x4E00, s16;
	p0 =	por !p6, !p6  }
0x21: {  	s10 =	sor.u32 $0x10, s10;
	s8 =	sadd.s32 s2, s8;
	[dreg:$0xc] =	wrdreg s11  }
0x22: {  	[dreg:$0xa] =	wrdreg s25;
	s14 =	sadd.s32 s26, s24;
	s18 =	sadd.s32 $0x2000, s15  }
0x23: {  	s19 =	sadd.s32 $0x4000, s15;
	s28 =	sadd.s32 $0xC000, s15;
	s29 =	sadd.s32 $0xE000, s15  }
0x24: {  	s30 =	sadd.s32 $0x10000, s15;
	s31 =	sadd.s32 $0x12000, s15;
	s10 =	sadd.s32 s2, s10  }
0x25: {  	[dreg:$0x13] =	wrdreg s8;
	s4 =	sadd.s32 s1, s14;
	s8 =	simm.s32 $0x1  }
0x26: {  	s0 =	sadd.s32 s21, s0;
	s1 =	sshll.u32 s1, $0x7;
	s21 =	sadd.s32 $0x8000, s15  }
0x27: {  	[dreg:$0x11] =	wrdreg s10;
	s4 =	sshll.u32 s4, $0xA;
	s8 =	simm.s32 @!p0 $0x0  }
0x28: {  	s0 =	sadd.s32 s1, s0;
	s20 =	sadd.s32 $0x1C00, s4;
	s22 =	sshll.u32 s8, $0x6  }
0x29: {  	s23 =	sadd.s32 $0x1800, s4;
	s24 =	sadd.s32 $0x1400, s4;
	[dreg:$0xb] =	wrdreg s20  }
0x2a: {  	s4 =	sadd.s32 $0x1000, s4;
	s20 =	sadd.s32 $0x6000, s15;
	[dreg:$0x9] =	wrdreg s23  }
0x2b: {  	s1 =	sor.u32 s22, s0;
	s0 =	sor.u32 s7, s0;
	[dreg:$0x7] =	wrdreg s24  }
0x2c: {  	[dreg:$0x5] =	wrdreg s4;
	s4 =	simm.s32 $0x1C200;
	s25 =	sadd.s32 $0x380, s1  }
0x2d: {  	s26 =	sadd.s32 $0x300, s0;
	s1 =	sadd.s32 $0x280, s1;
	s8 =	sadd.s32 $0x200, s0  }
0x2e: {  	s0 =	simm.s32 $0x9;
	s11 =	sshrl.u32 s25, $0x3;
	s10 =	sshrl.u32 s26, $0x3  }
0x2f: {  	v0 =	vimm.f32 $0.0e+00;
	s9 =	sshrl.u32 s1, $0x3;
	s26 =	sadd.s32 $0xA000, s15;
	s1 =	simm.s32 $0x0  }
.LBB2_1:
0x30: {  	s7 =	rddreg [dreg:$0xd];
	s12 =	simm.s32 $0x1C000  }
0x31: {  	[tilespmem:s12], [sflag:$0x5] =	stream.linear.gather [hbm4b:s7+s5], $0x40, $0x38;
	[tilespmem:$0x1E200] =	vst v63  }
0x32: {  	s16 =	rddreg [dreg:$0xe];
	s17 =	simm.s32 $0x14000  }
0x33: {  	[tilespmem:s17], [sflag:$0x1] =	stream.linear.gather [hbm4b:s16+s5], $0x2000, $0x38;
	[tilespmem:$0x1E200] =	vst v63  }
0x34: {  	s22 =	rddreg [dreg:$0xf];
	s23 =	simm.s32 $0x1C080  }
0x35: {  	[tilespmem:s23], [sflag:$0x6] =	stream.linear.gather [hbm4b:s22+s5], $0x40, $0x38;
	[tilespmem:$0x1E200] =	vst v63  }
0x36: {  	s24 =	rddreg [dreg:$0x10];
	s25 =	simm.s32 $0x16000  }
0x37: {  	[tilespmem:s25], [sflag:$0x2] =	stream.linear.gather [hbm4b:s24+s5], $0x2000, $0x38;
	[tilespmem:$0x1E200] =	vst v63  }
0x38: {  	s13 =	rddreg [dreg:$0x11];
	s14 =	simm.s32 $0x1C100  }
0x39: {  	[tilespmem:s14], [sflag:$0x7] =	stream.linear.gather [hbm4b:s13+s5], $0x40, $0x38;
	[tilespmem:$0x1E200] =	vst v63  }
0x3a: {  	s16 =	rddreg [dreg:$0x12];
	s17 =	simm.s32 $0x18000  }
0x3b: {  	[tilespmem:s17], [sflag:$0x3] =	stream.linear.gather [hbm4b:s16+s5], $0x2000, $0x38;
	[tilespmem:$0x1E200] =	vst v63  }
0x3c: {  	s7 =	simm.s32 $0x0;
	s22 =	rddreg [dreg:$0x13];
	s23 =	simm.s32 $0x1C180  }
0x3d: {  	[tilespmem:s23], [sflag:$0x8] =	stream.linear.gather [hbm4b:s22+s5], $0x40, $0x38;
	[tilespmem:$0x1E200] =	vst v63  }
0x3e: {  	s12 =	simm.s32 $0x200;
	s24 =	rddreg [dreg:$0x14];
	s25 =	simm.s32 $0x1A000  }
0x3f: {  	[tilespmem:s25], [sflag:$0x4] =	stream.linear.gather [hbm4b:s24+s5], $0x2000, $0x38;
	[tilespmem:$0x1E200] =	vst v63  }
.LBB2_2:
0x40: {  	p0 =	sne.s32 s12, $0x7E00;
	[tilespmem:s7+$0x1C270] =	vst v0  }
0x41: {  	[tilespmem:s7+$0x1C200] =	vst v0  }
0x42: {  	[tilespmem:s7+$0x1C210] =	vst v0  }
.Ltmp0:
0x43: {  	[tilespmem:s7+$0x1C220] =	vst v0;
	(pc) =	sbr.rel @p0 .LBB2_2-.Ltmp0, $4  }
0x44: {  	[tilespmem:s7+$0x1C230] =	vst v0  }
0x45: {  	[tilespmem:s7+$0x1C240] =	vst v0  }
0x46: {  	[tilespmem:s7+$0x1C250] =	vst v0  }
0x47: {  	[tilespmem:s7+$0x1C260] =	vst v0;
	s7 =	sshra.s32 s12, $0x2;
	s12 =	sadd.s32 $0x200, s12  }
0x48: {  	[tilespmem:s7+$0x1C270] =	vst v0  }
0x49: {  	[tilespmem:s7+$0x1C200] =	vst v0  }
0x4a: {  	[tilespmem:s7+$0x1C210] =	vst v0  }
0x4b: {  	[tilespmem:s7+$0x1C220] =	vst v0  }
0x4c: {  	[tilespmem:s7+$0x1C230] =	vst v0  }
0x4d: {  	[tilespmem:s7+$0x1C240] =	vst v0  }
0x4e: {  	[tilespmem:s7+$0x1C250] =	vst v0  }
0x4f: {  	[tilespmem:s7+$0x1C260] =	vst v0  }
0x50: {  	[spmem:s15] =	stream.linear.scatter [tilespmem:s4], [sflag:$0x9], $0x2000, $0x38;
	[tilespmem:$0x1E200] =	vst v63  }
0x51: {  	_ =	swait.ge [sflag:s0], $0x2000  }
0x52: {  	[sflag:s0] =	ssyncset.done $0x0  }
0x53: {  	[sflag:s0] =	ssyncadd.s32 $0xFFFFE000  }
0x54: {  	[spmem:s18] =	stream.linear.scatter [tilespmem:s4], [sflag:$0x9], $0x2000, $0x38;
	[tilespmem:$0x1E200] =	vst v63  }
0x55: {  	_ =	swait.ge [sflag:s0], $0x2000  }
0x56: {  	[sflag:s0] =	ssyncset.done $0x0  }
0x57: {  	[sflag:s0] =	ssyncadd.s32 $0xFFFFE000  }
0x58: {  	[spmem:s19] =	stream.linear.scatter [tilespmem:s4], [sflag:$0x9], $0x2000, $0x38;
	[tilespmem:$0x1E200] =	vst v63  }
0x59: {  	_ =	swait.ge [sflag:s0], $0x2000  }
0x5a: {  	[sflag:s0] =	ssyncset.done $0x0  }
0x5b: {  	[sflag:s0] =	ssyncadd.s32 $0xFFFFE000  }
0x5c: {  	[spmem:s20] =	stream.linear.scatter [tilespmem:s4], [sflag:$0x9], $0x2000, $0x38;
	[tilespmem:$0x1E200] =	vst v63  }
0x5d: {  	_ =	swait.ge [sflag:s0], $0x2000  }
0x5e: {  	[sflag:s0] =	ssyncset.done $0x0  }
0x5f: {  	[sflag:s0] =	ssyncadd.s32 $0xFFFFE000  }
0x60: {  	[spmem:s21] =	stream.linear.scatter [tilespmem:s4], [sflag:$0x9], $0x2000, $0x38;
	[tilespmem:$0x1E200] =	vst v63  }
0x61: {  	_ =	swait.ge [sflag:s0], $0x2000  }
0x62: {  	[sflag:s0] =	ssyncset.done $0x0  }
0x63: {  	[sflag:s0] =	ssyncadd.s32 $0xFFFFE000  }
0x64: {  	[spmem:s26] =	stream.linear.scatter [tilespmem:s4], [sflag:$0x9], $0x2000, $0x38;
	[tilespmem:$0x1E200] =	vst v63  }
0x65: {  	_ =	swait.ge [sflag:s0], $0x2000  }
0x66: {  	[sflag:s0] =	ssyncset.done $0x0  }
0x67: {  	[sflag:s0] =	ssyncadd.s32 $0xFFFFE000  }
0x68: {  	[spmem:s28] =	stream.linear.scatter [tilespmem:s4], [sflag:$0x9], $0x2000, $0x38;
	[tilespmem:$0x1E200] =	vst v63  }
0x69: {  	_ =	swait.ge [sflag:s0], $0x2000  }
0x6a: {  	[sflag:s0] =	ssyncset.done $0x0  }
0x6b: {  	[sflag:s0] =	ssyncadd.s32 $0xFFFFE000  }
0x6c: {  	[spmem:s29] =	stream.linear.scatter [tilespmem:s4], [sflag:$0x9], $0x2000, $0x38;
	[tilespmem:$0x1E200] =	vst v63  }
0x6d: {  	_ =	swait.ge [sflag:s0], $0x2000  }
0x6e: {  	[sflag:s0] =	ssyncset.done $0x0  }
0x6f: {  	[sflag:s0] =	ssyncadd.s32 $0xFFFFE000  }
0x70: {  	[spmem:s30] =	stream.linear.scatter [tilespmem:s4], [sflag:$0x9], $0x2000, $0x38;
	[tilespmem:$0x1E200] =	vst v63  }
0x71: {  	_ =	swait.ge [sflag:s0], $0x2000  }
0x72: {  	[sflag:s0] =	ssyncset.done $0x0  }
0x73: {  	[sflag:s0] =	ssyncadd.s32 $0xFFFFE000  }
0x74: {  	[spmem:s31] =	stream.linear.scatter [tilespmem:s4], [sflag:$0x9], $0x2000, $0x38;
	[tilespmem:$0x1E200] =	vst v63  }
0x75: {  	_ =	swait.ge [sflag:s0], $0x2000  }
0x76: {  	[sflag:s0] =	ssyncset.done $0x0  }
0x77: {  	s7 =	simm.s32 $0x0;
	[sflag:s0] =	ssyncadd.s32 $0xFFFFE000  }
0x78: {  	s25 =	smov.u32 s8;
	s24 =	smov.u32 s9;
	[bflag:$0x0] =	sbarrier.arrive $0xFFFF  }
0x79: {  	s23 =	smov.u32 s10;
	s22 =	smov.u32 s11;
	s12 =	rddreg [dreg:$0x0]  }
.LBB2_4:
0x7a: {  	p0 =	sge.u32 s7, s6  }
0x7b: {  	s13 =	simm.s32 @!p0 $0x5  }
0x7c: {  	_ =	swait.ge @!p0 [sflag:s13], $0x40  }
0x7d: {  	[sflag:s13] =	ssyncset.done @!p0 $0x0  }
0x7e: {  	[sflag:s13] =	ssyncadd.s32 @!p0 $0xFFFFFFC0;
	s13 =	simm.s32 @!p0 $0x1  }
0x7f: {  	_ =	swait.ge @!p0 [sflag:s13], $0x2000  }
0x80: {  	s14 =	simm.s32 @!p0 $0x1C000;
	[sflag:s13] =	ssyncset.done @!p0 $0x0  }
0x81: {  	s16 =	simm.s32 @!p0 $0x14000;
	[sflag:s13] =	ssyncadd.s32 @!p0 $0xFFFFE000;
	s13 =	simm.s32 @!p0 $0x40  }
0x82: {  	[spmem:s3] =	stream.indirect.scatter.add.f32 @!p0 [tilespmem:s16], [sflag:$0x9], $0x80, s14, s13, $0xb8;
	[tilespmem:$0x1E200] =	vst v63  }
0x83: {  	s13 =	sadd.s32 @!p0 $0x4, s7  }
0x84: {  	p1 =	sge.u32 @!p0 s13, s6;
	s13 =	simm.s32 @!p0 $0x9  }
0x85: {  	p1 =	por p1, p0;
	_ =	swait.ge @!p0 [sflag:s13], $0x2000  }
0x86: {  	s14 =	sshrl.u32 @!p1 s25, $0x3;
	[sflag:s13] =	ssyncset.done @!p0 $0x0  }
0x87: {  	s16 =	simm.s32 @!p1 $0x1C000;
	s17 =	rddreg [dreg:$0x5];
	s14 =	sor.u32 @!p1 $0x10, s14  }
0x88: {  	[sflag:s13] =	ssyncadd.s32 @!p0 $0xFFFFE000;
	s13 =	sadd.s32 @!p1 s2, s14;
	s14 =	simm.s32 @!p1 $0x0  }
0x89: {  	[tilespmem:s16], [sflag:$0x5] =	stream.linear.gather @!p1 [hbm4b:s13+s14], $0x40, $0x38;
	[tilespmem:$0x1E200] =	vst v63  }
0x8a: {  	s13 =	rddreg [dreg:$0x6]  }
0x8b: {  	s16 =	sadd.s32 @!p1 s12, s17;
	s17 =	simm.s32 @!p1 $0x14000;
	p0 =	sge.u32 s7, s13  }
0x8c: {  	[tilespmem:s17], [sflag:$0x1] =	stream.linear.gather @!p1 [hbm4b:s16+s14], $0x2000, $0x38;
	[tilespmem:$0x1E200] =	vst v63  }
0x8d: {  	s13 =	simm.s32 @!p0 $0x6  }
0x8e: {  	_ =	swait.ge @!p0 [sflag:s13], $0x40  }
0x8f: {  	[sflag:s13] =	ssyncset.done @!p0 $0x0  }
0x90: {  	[sflag:s13] =	ssyncadd.s32 @!p0 $0xFFFFFFC0;
	s13 =	simm.s32 @!p0 $0x2  }
0x91: {  	_ =	swait.ge @!p0 [sflag:s13], $0x2000  }
0x92: {  	s14 =	simm.s32 @!p0 $0x1C080;
	[sflag:s13] =	ssyncset.done @!p0 $0x0  }
0x93: {  	s16 =	simm.s32 @!p0 $0x16000;
	[sflag:s13] =	ssyncadd.s32 @!p0 $0xFFFFE000;
	s13 =	simm.s32 @!p0 $0x40  }
0x94: {  	[spmem:s3] =	stream.indirect.scatter.add.f32 @!p0 [tilespmem:s16], [sflag:$0x9], $0x80, s14, s13, $0xb8;
	[tilespmem:$0x1E200] =	vst v63  }
0x95: {  	s13 =	sadd.s32 @!p0 $0x5, s7;
	s14 =	simm.s32 @!p0 $0x9  }
0x96: {  	p1 =	sge.u32 @!p0 s13, s6;
	_ =	swait.ge @!p0 [sflag:s14], $0x2000  }
0x97: {  	p1 =	por p1, p0;
	[sflag:s14] =	ssyncset.done @!p0 $0x0  }
0x98: {  	s17 =	rddreg [dreg:$0x7];
	s13 =	sor.u32 @!p1 $0x10, s24;
	[sflag:s14] =	ssyncadd.s32 @!p0 $0xFFFFE000  }
0x99: {  	s14 =	simm.s32 @!p1 $0x0;
	s16 =	simm.s32 @!p1 $0x1C080;
	s13 =	sadd.s32 @!p1 s2, s13  }
0x9a: {  	[tilespmem:s16], [sflag:$0x6] =	stream.linear.gather @!p1 [hbm4b:s13+s14], $0x40, $0x38;
	[tilespmem:$0x1E200] =	vst v63  }
0x9b: {  	s13 =	rddreg [dreg:$0x8]  }
0x9c: {  	s16 =	sadd.s32 @!p1 s12, s17;
	s17 =	simm.s32 @!p1 $0x16000;
	p0 =	sge.u32 s7, s13  }
0x9d: {  	[tilespmem:s17], [sflag:$0x2] =	stream.linear.gather @!p1 [hbm4b:s16+s14], $0x2000, $0x38;
	[tilespmem:$0x1E200] =	vst v63  }
0x9e: {  	s13 =	simm.s32 @!p0 $0x7  }
0x9f: {  	_ =	swait.ge @!p0 [sflag:s13], $0x40  }
0xa0: {  	[sflag:s13] =	ssyncset.done @!p0 $0x0  }
0xa1: {  	[sflag:s13] =	ssyncadd.s32 @!p0 $0xFFFFFFC0;
	s13 =	simm.s32 @!p0 $0x3  }
0xa2: {  	_ =	swait.ge @!p0 [sflag:s13], $0x2000  }
0xa3: {  	s14 =	simm.s32 @!p0 $0x1C100;
	[sflag:s13] =	ssyncset.done @!p0 $0x0  }
0xa4: {  	s16 =	simm.s32 @!p0 $0x18000;
	[sflag:s13] =	ssyncadd.s32 @!p0 $0xFFFFE000;
	s13 =	simm.s32 @!p0 $0x40  }
0xa5: {  	[spmem:s3] =	stream.indirect.scatter.add.f32 @!p0 [tilespmem:s16], [sflag:$0x9], $0x80, s14, s13, $0xb8;
	[tilespmem:$0x1E200] =	vst v63  }
0xa6: {  	s13 =	sadd.s32 @!p0 $0x6, s7;
	s14 =	simm.s32 @!p0 $0x9  }
0xa7: {  	p1 =	sge.u32 @!p0 s13, s6;
	_ =	swait.ge @!p0 [sflag:s14], $0x2000  }
0xa8: {  	p1 =	por p1, p0;
	[sflag:s14] =	ssyncset.done @!p0 $0x0  }
0xa9: {  	s17 =	rddreg [dreg:$0x9];
	s13 =	sor.u32 @!p1 $0x10, s23;
	[sflag:s14] =	ssyncadd.s32 @!p0 $0xFFFFE000  }
0xaa: {  	s14 =	simm.s32 @!p1 $0x0;
	s16 =	simm.s32 @!p1 $0x1C100;
	s13 =	sadd.s32 @!p1 s2, s13  }
0xab: {  	[tilespmem:s16], [sflag:$0x7] =	stream.linear.gather @!p1 [hbm4b:s13+s14], $0x40, $0x38;
	[tilespmem:$0x1E200] =	vst v63  }
0xac: {  	s13 =	rddreg [dreg:$0xa]  }
0xad: {  	s16 =	sadd.s32 @!p1 s12, s17;
	s17 =	simm.s32 @!p1 $0x18000;
	p0 =	sge.u32 s7, s13  }
0xae: {  	[tilespmem:s17], [sflag:$0x3] =	stream.linear.gather @!p1 [hbm4b:s16+s14], $0x2000, $0x38;
	[tilespmem:$0x1E200] =	vst v63  }
0xaf: {  	s13 =	simm.s32 @!p0 $0x8  }
0xb0: {  	_ =	swait.ge @!p0 [sflag:s13], $0x40  }
0xb1: {  	[sflag:s13] =	ssyncset.done @!p0 $0x0  }
0xb2: {  	[sflag:s13] =	ssyncadd.s32 @!p0 $0xFFFFFFC0;
	s13 =	simm.s32 @!p0 $0x4  }
0xb3: {  	_ =	swait.ge @!p0 [sflag:s13], $0x2000  }
0xb4: {  	s14 =	simm.s32 @!p0 $0x1C180;
	[sflag:s13] =	ssyncset.done @!p0 $0x0  }
0xb5: {  	s16 =	simm.s32 @!p0 $0x1A000;
	[sflag:s13] =	ssyncadd.s32 @!p0 $0xFFFFE000;
	s13 =	simm.s32 @!p0 $0x40  }
0xb6: {  	[spmem:s3] =	stream.indirect.scatter.add.f32 @!p0 [tilespmem:s16], [sflag:$0x9], $0x80, s14, s13, $0xb8;
	[tilespmem:$0x1E200] =	vst v63  }
0xb7: {  	s13 =	simm.s32 @!p0 $0x9;
	s14 =	sadd.s32 @!p0 $0x7, s7  }
0xb8: {  	_ =	swait.ge @!p0 [sflag:s13], $0x2000;
	p1 =	sge.u32 @!p0 s14, s6  }
0xb9: {  	[sflag:s13] =	ssyncset.done @!p0 $0x0;
	p1 =	por p1, p0  }
0xba: {  	[sflag:s13] =	ssyncadd.s32 @!p0 $0xFFFFE000;
	s13 =	sor.u32 @!p1 $0x10, s22  }
0xbb: {  	s16 =	simm.s32 @!p1 $0x0;
	s17 =	simm.s32 @!p1 $0x1C180;
	s13 =	sadd.s32 @!p1 s2, s13  }
0xbc: {  	[tilespmem:s17], [sflag:$0x8] =	stream.linear.gather @!p1 [hbm4b:s13+s16], $0x40, $0x38;
	[tilespmem:$0x1E200] =	vst v63  }
0xbd: {  	s7 =	sadd.s32 $0x4, s7;
	s17 =	rddreg [dreg:$0xc]  }
0xbe: {  	p0 =	sne.s32 s17, s7  }
.Ltmp1:
0xbf: {  	_ = 	snop;
	(pc) =	sbr.rel @p0 .LBB2_4-.Ltmp1, $4  }
0xc0: {  	s25 =	sadd.s32 $0x200, s25;
	s24 =	sadd.s32 $0x40, s24  }
0xc1: {  	s23 =	sadd.s32 $0x40, s23;
	s14 =	rddreg [dreg:$0xb];
	s22 =	sadd.s32 $0x40, s22  }
0xc2: {  	s13 =	sadd.s32 @!p1 s12, s14;
	s14 =	simm.s32 @!p1 $0x1A000;
	s12 =	sadd.s32 $0x1000, s12  }
0xc3: {  	[tilespmem:s14], [sflag:$0x4] =	stream.linear.gather @!p1 [hbm4b:s13+s16], $0x2000, $0x38;
	[tilespmem:$0x1E200] =	vst v63  }
0xc4: {  	s7 =	stileid.u32  }
0xc5: {  	[bflag:$0x0] =	sbarrier.arrive $0xFFFF;
	s7 =	sshll.u32 s7, $0x6  }
0xc6: {  	s12 =	sshrl.u32 s15, $0x3;
	s13 =	rddreg [dreg:$0x15];
	s7 =	sor.u32 $0x1C09, s7  }
0xc7: {  	[hbm:s13], [sflag:s7] =	dma.local [spmem:s12], $0x2800  }
0xc8: {  	_ =	swait.ge [sflag:s0], $0x2800  }
0xc9: {  	s1 =	sadd.s32 $0x1, s1;
	s25 =	rddreg [dreg:$0x16]  }
0xca: {  	p0 =	sne.s32 s1, s25  }
.Ltmp2:
0xcb: {  	_ = 	snop;
	(pc) =	sbr.rel @p0 .LBB2_1-.Ltmp2, $3  }
0xcc: {  	_ =	sdelay $0x1  }
0xcd: {  	[sflag:s0] =	ssyncset.done $0x0  }
0xce: {  	[sflag:s0] =	ssyncadd.s32 $0xFFFFD800  }
0xcf: {  	_ =	sfence.sel $0x180000  }
0xd0: {  	[bflag:$0x0] =	sbarrier.arrive $0xFFFF  }
0xd1: {  	_ =	strace $0x90000047  }
0xd2: {  	s0 =	stileid.u32;
	[bflag:$0x2] =	sbarrier.arrive $0xFFFF  }
0xd3: {  	p0 =	sne.s32 s0, $0x0;
	s0 =	rddreg [dreg:$0x4]  }
0xd4: {  	s0 =	sadd.s32 @!p0 $0x100000, s0  }
0xd5: {  	[sflag:s0] =	ssyncadd.tile.s32 @!p0 $0x1;
	_ =	shalt  }
.Lfunc_end2:
_tile_overlayer_lowered:
.L_overlay_start_2:
0xd6: {  	(tag) =	ssettag $0x2  }
0xd7: {  	s0 =	rddreg [dreg:$0x0];
	s2 =	stileid.u32  }
0xd8: {  	s1 =	rddreg [dreg:$0x1];
	p0 =	sne.s32 s2, $0x0  }
0xd9: {  	s3 =	rddreg [dreg:$0x2];
	[bflag:$0x3] =	sbarrier.arrive $0xFFFF;
	s2 =	simm.s32 @!p0 $0x1C09  }
0xda: {  	[timem:s3], [sflag:s2] =	dma.local @!p0 [hbm:s0], s1  }
0xdb: {  	s0 =	simm.s32 @!p0 $0x9  }
0xdc: {  	_ =	swait.ge @!p0 [sflag:s0], s1  }
0xdd: {  	s1 =	ssub.s32 @!p0 $0x0, s1;
	[sflag:s0] =	ssyncset.done @!p0 $0x0  }
0xde: {  	[sflag:s0] =	ssyncadd.s32 @!p0 s1  }
0xdf: {  	[bflag:$0x3] =	sbarrier.arrive $0xFFFF  }
0xe0: {  	_ =	shalt  }

</sc_bundles>
